<compile_context>
chip_gen: v7x
topology: tpu7x:2x2x1
jax: 0.10.2.dev20260603
libtpu: 0.0.44.dev20260713+nightly
codegen_flags: <defaults>
</compile_context>

<pallas_src>
import jax
import jax.numpy as jnp
from jax import lax
from jax.experimental import pallas as pl
from jax.experimental.pallas import tpu as pltpu
from jax.experimental.pallas import tpu_sc as plsc

_N = 577
_ROWS = 55392
_RCHUNK = 48
_NCHUNKS = _ROWS // _RCHUNK
_NW = 32
_KMAX = -(-_NCHUNKS // _NW)
_CPR = 36

_RENORM_HEADS = (2, 3, 5, 7, 8)
_COPY_HEAD = 10


def _tail_idx(r):
    return [jnp.full((16,), r, jnp.int32), jnp.full((16,), _N - 1, jnp.int32)]


def _row_renorm(buf, r, lane0):
    vs = []
    acc = jnp.zeros((16,), jnp.float32)
    for j in range(_CPR):
        v = jnp.maximum(buf[r, pl.ds(j * 16, 16)], 0.0)
        vs.append(v)
        acc = acc + v
    idx = _tail_idx(r)
    t = jnp.maximum(plsc.load_gather(buf, idx), 0.0)
    acc = acc + jnp.where(lane0, t, 0.0)
    s_vec = jnp.full((16,), jnp.sum(acc) + 1e-5, jnp.float32)
    inv = jnp.ones((16,), jnp.float32) / s_vec
    for j in range(_CPR):
        buf[r, pl.ds(j * 16, 16)] = vs[j] * inv
    plsc.store_scatter(buf, idx, t * inv, mask=lane0)


def _row_uniform(buf, r, lane0):
    scale = jnp.float32(1.0 / _N)
    for j in range(_CPR):
        buf[r, pl.ds(j * 16, 16)] = buf[r, pl.ds(j * 16, 16)] * scale
    idx = _tail_idx(r)
    t = plsc.load_gather(buf, idx)
    plsc.store_scatter(buf, idx, t * scale, mask=lane0)


def _sc_body(x_hbm, o_hbm, buf):
    w = lax.axis_index("s") * 2 + lax.axis_index("c")
    lane0 = lax.iota(jnp.int32, 16) < 1

    def round_iter(k, carry):
        c = w + k * _NW

        @pl.when(c < _NCHUNKS)
        def _():
            base = c * _RCHUNK
            pltpu.sync_copy(x_hbm.at[pl.ds(base, _RCHUNK), :], buf)

            @plsc.parallel_loop(0, 1, unroll=1)
            def row(r):
                head = ((base + r) // _N) % 12
                is_renorm = head == _RENORM_HEADS[0]
                for hh in _RENORM_HEADS[1:]:
                    is_renorm = jnp.logical_or(is_renorm, head == hh)
                is_uniform = jnp.logical_and(
                    jnp.logical_not(is_renorm), head != _COPY_HEAD
                )

                @pl.when(is_renorm)
                def _():
                    _row_renorm(buf, r, lane0)

                @pl.when(is_uniform)
                def _():
                    _row_uniform(buf, r, lane0)
            pltpu.sync_copy(buf, o_hbm.at[pl.ds(base, _RCHUNK), :])

        return carry

    lax.fori_loop(0, _KMAX, round_iter, 0)


def kernel(attn_weights):
    b, nh, n, _ = attn_weights.shape
    x2 = attn_weights.reshape(b * nh * n, n)
    mesh = plsc.VectorSubcoreMesh(
        core_axis_name="c", subcore_axis_name="s", num_cores=2, num_subcores=16
    )
    out = pl.kernel(
        _sc_body,
        out_type=jax.ShapeDtypeStruct((b * nh * n, n), jnp.float32),
        mesh=mesh,
        scratch_types=[pltpu.VMEM((_RCHUNK, n), jnp.float32)],
        compiler_params=pltpu.CompilerParams(needs_layout_passes=False),
    )(x2)
    return out.reshape(b, nh, n, n)

# --- scband reference (transcript-rebuilt; emitter-appended) ---
"""Pipeline reference for scband-choose-attention-55147380081317 (READ-ONLY COPY).

The authoritative reference and input builder live on the scoring server;
editing this copy changes nothing except your own understanding.
"""

import jax, jax.numpy as jnp
import numpy as np

# ViT-Base config: 12 heads, layer 0. alpha_infer mask (which heads use ReLU-renorm
# attention vs uniform attention), alpha_sizes[layer][0] = number of True heads = 6.
_ALPHA_MASK = jnp.array([1, 0, 1, 1, 0, 1, 0, 1, 1, 0, 1, 0], dtype=jnp.float32)
TRUE_IDX = jnp.where(_ALPHA_MASK, size=6)[0]
FALSE_IDX = jnp.where(_ALPHA_MASK < 0.5, size=12 - 6)[0]


def setup_inputs(seed: int = 0) -> dict:
    key = jax.random.key(seed)
    # ViT-Base @ 384x384, patch 16 -> (384/16)^2 + 1 cls token = 577 tokens
    attn_weights = jax.random.uniform(key, (8, 12, 577, 577), dtype=jnp.float32)
    return {"attn_weights": attn_weights}


def reference(attn_weights):
    # gather the selected heads
    selected_attn_weights = attn_weights[:, TRUE_IDX, :, :]
    selected_attn_weights_false = attn_weights[:, FALSE_IDX, :, :]
    # ReLU + L1 renormalization over the key axis for 'true' heads
    temp = jax.nn.relu(selected_attn_weights)
    modified_attn_weights = temp / (jnp.sum(temp, axis=-1, keepdims=True) + 1e-05)
    # uniform attention for 'false' heads
    modified_attn_weights_false = selected_attn_weights_false / selected_attn_weights_false.shape[-1]
    # scatter-overwrite back into the full head dimension
    updated_attn_weights = attn_weights.at[:, TRUE_IDX, :, :].set(modified_attn_weights)
    updated_attn_weights = updated_attn_weights.at[:, FALSE_IDX, :, :].set(modified_attn_weights_false)
    return updated_attn_weights

if __name__ == "__main__":
    import jax
    _d = setup_inputs()
    print(jax.jit(kernel)(*tuple(_d.values())))

</pallas_src>

<mosaic_0001>
#map = affine_map<(d0, d1) -> (0, 0)>
module attributes {stable_mosaic.version = 14 : i64} {
  func.func @_sc_body(%arg0: i32, %arg1: i32, %arg2: memref<55392x577xf32, #tpu.memory_space<hbm>>, %arg3: memref<55392x577xf32, #tpu.memory_space<hbm>>, %arg4: memref<48x577xf32, #tpu.memory_space<vmem>>) attributes {dimension_semantics = [#tpu.dimension_semantics<core_parallel>, #tpu.dimension_semantics<subcore_parallel>], iteration_bounds = array<i64: 2, 16>, scalar_prefetch = 0 : i64, scratch_operands = 1 : i64, tpu.core_type = #tpu.core_type<sc_vector_subcore>, window_params = [{transform_indices = #map}, {transform_indices = #map}]} {
    %mul3A = arith.constant 2 : i32
    %mul3A_0 = arith.muli %arg1, %mul3A : i32
    %add3A = arith.addi %mul3A_0, %arg0 : i32
    %iota3A = tpu.iota {dimensions = array<i32: 0>} : vector<16xi32>
    %lt3A = arith.constant 1 : i32
    %lt3A_1 = vector.broadcast %lt3A : i32 to vector<16xi32>
    %lt3A_2 = arith.cmpi slt, %iota3A, %lt3A_1 : vector<16xi32>
    %scan3A = arith.constant 0 : i32
    %scan3A_3 = arith.constant 0 : i32
    %scan3A_4 = arith.constant 37 : i32
    %scan3A_5 = arith.addi %scan3A_3, %scan3A_4 : i32
    %scan3A_6 = arith.constant 1 : i32
    scf.for %scan3A_8 = %scan3A_3 to %scan3A_5 step %scan3A_6  : i32 {
      %mul3A_9 = arith.constant 32 : i32
      %mul3A_10 = arith.muli %scan3A_8, %mul3A_9 : i32
      %add3A_11 = arith.addi %add3A, %mul3A_10 : i32
      %lt3A_12 = arith.constant 1154 : i32
      %lt3A_13 = arith.cmpi slt, %add3A_11, %lt3A_12 : i32
      %convert_element_type3A = arith.extui %lt3A_13 : i1 to i32
      %cond3A = arith.constant 0 : i32
      %cond3A_14 = arith.cmpi ne, %convert_element_type3A, %cond3A : i32
      scf.if %cond3A_14 {
        %mul3A_15 = arith.constant 48 : i32
        %mul3A_16 = arith.muli %add3A_11, %mul3A_15 : i32
        "tpu.region"() ({
          %run_scoped3A = tpu.sem_alloc : memref<!tpu.dma_semaphore, #tpu.memory_space<semaphore_mem>>
          %dma_start3A = arith.constant 0 : i32
          %dma_start3A_19 = tpu.memref_slice %arg2[%mul3A_16, %dma_start3A] : memref<55392x577xf32, #tpu.memory_space<hbm>> -> memref<48x577xf32, #tpu.memory_space<hbm>>
          %dma_start3A_20 = arith.constant 0 : i32
          %dma_start3A_21 = tpu.memref_slice %arg2[%mul3A_16, %dma_start3A_20] : memref<55392x577xf32, #tpu.memory_space<hbm>> -> memref<48x577xf32, #tpu.memory_space<hbm>>
          tpu.enqueue_dma source(%dma_start3A_21 : memref<48x577xf32, #tpu.memory_space<hbm>>) target(%arg4 : memref<48x577xf32, #tpu.memory_space<vmem>>) target_semaphore(%run_scoped3A : memref<!tpu.dma_semaphore, #tpu.memory_space<semaphore_mem>>)
          %dma_wait3A = arith.constant 0 : i32
          %dma_wait3A_22 = tpu.memref_slice %arg2[%mul3A_16, %dma_wait3A] : memref<55392x577xf32, #tpu.memory_space<hbm>> -> memref<48x577xf32, #tpu.memory_space<hbm>>
          %dma_wait3A_23 = arith.constant 0 : i32
          %dma_wait3A_24 = tpu.memref_slice %arg2[%mul3A_16, %dma_wait3A_23] : memref<55392x577xf32, #tpu.memory_space<hbm>> -> memref<48x577xf32, #tpu.memory_space<hbm>>
          tpu.wait_dma2 semaphore(%run_scoped3A : memref<!tpu.dma_semaphore, #tpu.memory_space<semaphore_mem>>) src(%dma_wait3A_24 : memref<48x577xf32, #tpu.memory_space<hbm>>) dst(%arg4 : memref<48x577xf32, #tpu.memory_space<vmem>>)
          tpu.yield
        }) : () -> ()
        %parallel_loop3A = arith.constant 0 : i32
        %parallel_loop3A_17 = arith.constant 1 : i32
        %parallel_loop3A_18 = arith.constant 1 : i32
        scf.for %parallel_loop3A_19 = %parallel_loop3A to %parallel_loop3A_17 step %parallel_loop3A_18  : i32 {
          %parallel_loop3A_20 = arith.addi %mul3A_16, %parallel_loop3A_19 : i32
          %parallel_loop3A_21 = arith.constant 577 : i32
          %parallel_loop3A_22 = arith.divsi %parallel_loop3A_20, %parallel_loop3A_21 : i32
          %parallel_loop3A_23 = arith.constant 0 : i32
          %parallel_loop3A_24 = arith.cmpi sgt, %parallel_loop3A_20, %parallel_loop3A_23 : i32
          %parallel_loop3A_25 = arith.extui %parallel_loop3A_24 : i1 to i32
          %parallel_loop3A_26 = arith.constant 0 : i32
          %parallel_loop3A_27 = arith.cmpi slt, %parallel_loop3A_20, %parallel_loop3A_26 : i32
          %parallel_loop3A_28 = arith.extui %parallel_loop3A_27 : i1 to i32
          %parallel_loop3A_29 = arith.subi %parallel_loop3A_25, %parallel_loop3A_28 : i32
          %parallel_loop3A_30 = arith.constant 0 : i32
          %parallel_loop3A_31 = arith.cmpi sgt, %parallel_loop3A_21, %parallel_loop3A_30 : i32
          %parallel_loop3A_32 = arith.extui %parallel_loop3A_31 : i1 to i32
          %parallel_loop3A_33 = arith.constant 0 : i32
          %parallel_loop3A_34 = arith.cmpi slt, %parallel_loop3A_21, %parallel_loop3A_33 : i32
          %parallel_loop3A_35 = arith.extui %parallel_loop3A_34 : i1 to i32
          %parallel_loop3A_36 = arith.subi %parallel_loop3A_32, %parallel_loop3A_35 : i32
          %parallel_loop3A_37 = arith.cmpi ne, %parallel_loop3A_29, %parallel_loop3A_36 : i32
          %parallel_loop3A_38 = arith.remsi %parallel_loop3A_20, %parallel_loop3A_21 : i32
          %parallel_loop3A_39 = arith.constant 0 : i32
          %parallel_loop3A_40 = arith.cmpi ne, %parallel_loop3A_38, %parallel_loop3A_39 : i32
          %parallel_loop3A_41 = arith.andi %parallel_loop3A_37, %parallel_loop3A_40 : i1
          %parallel_loop3A_42 = arith.constant 1 : i32
          %parallel_loop3A_43 = arith.subi %parallel_loop3A_22, %parallel_loop3A_42 : i32
          %parallel_loop3A_44 = arith.select %parallel_loop3A_41, %parallel_loop3A_43, %parallel_loop3A_22 : i32
          %parallel_loop3A_45 = arith.constant 12 : i32
          %parallel_loop3A_46 = arith.constant 0 : i32
          %parallel_loop3A_47 = arith.cmpi eq, %parallel_loop3A_45, %parallel_loop3A_46 : i32
          %parallel_loop3A_48 = arith.constant 1 : i32
          %parallel_loop3A_49 = arith.select %parallel_loop3A_47, %parallel_loop3A_48, %parallel_loop3A_45 : i32
          %parallel_loop3A_50 = arith.remsi %parallel_loop3A_44, %parallel_loop3A_49 : i32
          %parallel_loop3A_51 = arith.constant 0 : i32
          %parallel_loop3A_52 = arith.cmpi ne, %parallel_loop3A_50, %parallel_loop3A_51 : i32
          %parallel_loop3A_53 = arith.constant 0 : i32
          %parallel_loop3A_54 = arith.cmpi slt, %parallel_loop3A_50, %parallel_loop3A_53 : i32
          %parallel_loop3A_55 = arith.constant 0 : i32
          %parallel_loop3A_56 = arith.cmpi slt, %parallel_loop3A_49, %parallel_loop3A_55 : i32
          %parallel_loop3A_57 = arith.xori %parallel_loop3A_54, %parallel_loop3A_56 : i1
          %parallel_loop3A_58 = arith.andi %parallel_loop3A_57, %parallel_loop3A_52 : i1
          %parallel_loop3A_59 = arith.addi %parallel_loop3A_50, %parallel_loop3A_49 : i32
          %parallel_loop3A_60 = arith.select %parallel_loop3A_58, %parallel_loop3A_59, %parallel_loop3A_50 : i32
          %parallel_loop3A_61 = arith.constant 2 : i32
          %parallel_loop3A_62 = arith.cmpi eq, %parallel_loop3A_60, %parallel_loop3A_61 : i32
          %parallel_loop3A_63 = arith.constant 3 : i32
          %parallel_loop3A_64 = arith.cmpi eq, %parallel_loop3A_60, %parallel_loop3A_63 : i32
          %parallel_loop3A_65 = arith.ori %parallel_loop3A_62, %parallel_loop3A_64 : i1
          %parallel_loop3A_66 = arith.constant 5 : i32
          %parallel_loop3A_67 = arith.cmpi eq, %parallel_loop3A_60, %parallel_loop3A_66 : i32
          %parallel_loop3A_68 = arith.ori %parallel_loop3A_65, %parallel_loop3A_67 : i1
          %parallel_loop3A_69 = arith.constant 7 : i32
          %parallel_loop3A_70 = arith.cmpi eq, %parallel_loop3A_60, %parallel_loop3A_69 : i32
          %parallel_loop3A_71 = arith.ori %parallel_loop3A_68, %parallel_loop3A_70 : i1
          %parallel_loop3A_72 = arith.constant 8 : i32
          %parallel_loop3A_73 = arith.cmpi eq, %parallel_loop3A_60, %parallel_loop3A_72 : i32
          %parallel_loop3A_74 = arith.ori %parallel_loop3A_71, %parallel_loop3A_73 : i1
          %parallel_loop3A_75 = arith.constant true
          %parallel_loop3A_76 = arith.xori %parallel_loop3A_74, %parallel_loop3A_75 : i1
          %parallel_loop3A_77 = arith.constant 10 : i32
          %parallel_loop3A_78 = arith.cmpi ne, %parallel_loop3A_60, %parallel_loop3A_77 : i32
          %parallel_loop3A_79 = arith.andi %parallel_loop3A_76, %parallel_loop3A_78 : i1
          %parallel_loop3A_80 = arith.extui %parallel_loop3A_74 : i1 to i32
          %parallel_loop3A_81 = arith.constant 0 : i32
          %parallel_loop3A_82 = arith.cmpi ne, %parallel_loop3A_80, %parallel_loop3A_81 : i32
          scf.if %parallel_loop3A_82 {
            %parallel_loop3A_86 = arith.constant 0.000000e+00 : f32
            %parallel_loop3A_87 = vector.broadcast %parallel_loop3A_86 : f32 to vector<16xf32>
            %parallel_loop3A_88 = arith.index_cast %parallel_loop3A_19 : i32 to index
            %parallel_loop3A_89 = arith.constant 0 : index
            %parallel_loop3A_90 = tpu.vector_load %arg4[%parallel_loop3A_88, %parallel_loop3A_89] {strides = array<i32>} : memref<48x577xf32, #tpu.memory_space<vmem>>, vector<16xf32>,
            %parallel_loop3A_91 = arith.constant 0.000000e+00 : f32
            %parallel_loop3A_92 = vector.broadcast %parallel_loop3A_91 : f32 to vector<16xf32>
            %parallel_loop3A_93 = arith.maximumf %parallel_loop3A_90, %parallel_loop3A_92 : vector<16xf32>
            %parallel_loop3A_94 = arith.addf %parallel_loop3A_87, %parallel_loop3A_93 : vector<16xf32>
            %parallel_loop3A_95 = arith.index_cast %parallel_loop3A_19 : i32 to index
            %parallel_loop3A_96 = arith.constant 16 : index
            %parallel_loop3A_97 = tpu.vector_load %arg4[%parallel_loop3A_95, %parallel_loop3A_96] {strides = array<i32>} : memref<48x577xf32, #tpu.memory_space<vmem>>, vector<16xf32>,
            %parallel_loop3A_98 = arith.constant 0.000000e+00 : f32
            %parallel_loop3A_99 = vector.broadcast %parallel_loop3A_98 : f32 to vector<16xf32>
            %parallel_loop3A_100 = arith.maximumf %parallel_loop3A_97, %parallel_loop3A_99 : vector<16xf32>
            %parallel_loop3A_101 = arith.addf %parallel_loop3A_94, %parallel_loop3A_100 : vector<16xf32>
            %parallel_loop3A_102 = arith.index_cast %parallel_loop3A_19 : i32 to index
            %parallel_loop3A_103 = arith.constant 32 : index
            %parallel_loop3A_104 = tpu.vector_load %arg4[%parallel_loop3A_102, %parallel_loop3A_103] {strides = array<i32>} : memref<48x577xf32, #tpu.memory_space<vmem>>, vector<16xf32>,
            %parallel_loop3A_105 = arith.constant 0.000000e+00 : f32
            %parallel_loop3A_106 = vector.broadcast %parallel_loop3A_105 : f32 to vector<16xf32>
            %parallel_loop3A_107 = arith.maximumf %parallel_loop3A_104, %parallel_loop3A_106 : vector<16xf32>
            %parallel_loop3A_108 = arith.addf %parallel_loop3A_101, %parallel_loop3A_107 : vector<16xf32>
            %parallel_loop3A_109 = arith.index_cast %parallel_loop3A_19 : i32 to index
            %parallel_loop3A_110 = arith.constant 48 : index
            %parallel_loop3A_111 = tpu.vector_load %arg4[%parallel_loop3A_109, %parallel_loop3A_110] {strides = array<i32>} : memref<48x577xf32, #tpu.memory_space<vmem>>, vector<16xf32>,
            %parallel_loop3A_112 = arith.constant 0.000000e+00 : f32
            %parallel_loop3A_113 = vector.broadcast %parallel_loop3A_112 : f32 to vector<16xf32>
            %parallel_loop3A_114 = arith.maximumf %parallel_loop3A_111, %parallel_loop3A_113 : vector<16xf32>
            %parallel_loop3A_115 = arith.addf %parallel_loop3A_108, %parallel_loop3A_114 : vector<16xf32>
            %parallel_loop3A_116 = arith.index_cast %parallel_loop3A_19 : i32 to index
            %parallel_loop3A_117 = arith.constant 64 : index
            %parallel_loop3A_118 = tpu.vector_load %arg4[%parallel_loop3A_116, %parallel_loop3A_117] {strides = array<i32>} : memref<48x577xf32, #tpu.memory_space<vmem>>, vector<16xf32>,
            %parallel_loop3A_119 = arith.constant 0.000000e+00 : f32
            %parallel_loop3A_120 = vector.broadcast %parallel_loop3A_119 : f32 to vector<16xf32>
            %parallel_loop3A_121 = arith.maximumf %parallel_loop3A_118, %parallel_loop3A_120 : vector<16xf32>
            %parallel_loop3A_122 = arith.addf %parallel_loop3A_115, %parallel_loop3A_121 : vector<16xf32>
            %parallel_loop3A_123 = arith.index_cast %parallel_loop3A_19 : i32 to index
            %parallel_loop3A_124 = arith.constant 80 : index
            %parallel_loop3A_125 = tpu.vector_load %arg4[%parallel_loop3A_123, %parallel_loop3A_124] {strides = array<i32>} : memref<48x577xf32, #tpu.memory_space<vmem>>, vector<16xf32>,
            %parallel_loop3A_126 = arith.constant 0.000000e+00 : f32
            %parallel_loop3A_127 = vector.broadcast %parallel_loop3A_126 : f32 to vector<16xf32>
            %parallel_loop3A_128 = arith.maximumf %parallel_loop3A_125, %parallel_loop3A_127 : vector<16xf32>
            %parallel_loop3A_129 = arith.addf %parallel_loop3A_122, %parallel_loop3A_128 : vector<16xf32>
            %parallel_loop3A_130 = arith.index_cast %parallel_loop3A_19 : i32 to index
            %parallel_loop3A_131 = arith.constant 96 : index
            %parallel_loop3A_132 = tpu.vector_load %arg4[%parallel_loop3A_130, %parallel_loop3A_131] {strides = array<i32>} : memref<48x577xf32, #tpu.memory_space<vmem>>, vector<16xf32>,
            %parallel_loop3A_133 = arith.constant 0.000000e+00 : f32
            %parallel_loop3A_134 = vector.broadcast %parallel_loop3A_133 : f32 to vector<16xf32>
            %parallel_loop3A_135 = arith.maximumf %parallel_loop3A_132, %parallel_loop3A_134 : vector<16xf32>
            %parallel_loop3A_136 = arith.addf %parallel_loop3A_129, %parallel_loop3A_135 : vector<16xf32>
            %parallel_loop3A_137 = arith.index_cast %parallel_loop3A_19 : i32 to index
            %parallel_loop3A_138 = arith.constant 112 : index
            %parallel_loop3A_139 = tpu.vector_load %arg4[%parallel_loop3A_137, %parallel_loop3A_138] {strides = array<i32>} : memref<48x577xf32, #tpu.memory_space<vmem>>, vector<16xf32>,
            %parallel_loop3A_140 = arith.constant 0.000000e+00 : f32
            %parallel_loop3A_141 = vector.broadcast %parallel_loop3A_140 : f32 to vector<16xf32>
            %parallel_loop3A_142 = arith.maximumf %parallel_loop3A_139, %parallel_loop3A_141 : vector<16xf32>
            %parallel_loop3A_143 = arith.addf %parallel_loop3A_136, %parallel_loop3A_142 : vector<16xf32>
            %parallel_loop3A_144 = arith.index_cast %parallel_loop3A_19 : i32 to index
            %parallel_loop3A_145 = arith.constant 128 : index
            %parallel_loop3A_146 = tpu.vector_load %arg4[%parallel_loop3A_144, %parallel_loop3A_145] {strides = array<i32>} : memref<48x577xf32, #tpu.memory_space<vmem>>, vector<16xf32>,
            %parallel_loop3A_147 = arith.constant 0.000000e+00 : f32
            %parallel_loop3A_148 = vector.broadcast %parallel_loop3A_147 : f32 to vector<16xf32>
            %parallel_loop3A_149 = arith.maximumf %parallel_loop3A_146, %parallel_loop3A_148 : vector<16xf32>
            %parallel_loop3A_150 = arith.addf %parallel_loop3A_143, %parallel_loop3A_149 : vector<16xf32>
            %parallel_loop3A_151 = arith.index_cast %parallel_loop3A_19 : i32 to index
            %parallel_loop3A_152 = arith.constant 144 : index
            %parallel_loop3A_153 = tpu.vector_load %arg4[%parallel_loop3A_151, %parallel_loop3A_152] {strides = array<i32>} : memref<48x577xf32, #tpu.memory_space<vmem>>, vector<16xf32>,
            %parallel_loop3A_154 = arith.constant 0.000000e+00 : f32
            %parallel_loop3A_155 = vector.broadcast %parallel_loop3A_154 : f32 to vector<16xf32>
            %parallel_loop3A_156 = arith.maximumf %parallel_loop3A_153, %parallel_loop3A_155 : vector<16xf32>
            %parallel_loop3A_157 = arith.addf %parallel_loop3A_150, %parallel_loop3A_156 : vector<16xf32>
            %parallel_loop3A_158 = arith.index_cast %parallel_loop3A_19 : i32 to index
            %parallel_loop3A_159 = arith.constant 160 : index
            %parallel_loop3A_160 = tpu.vector_load %arg4[%parallel_loop3A_158, %parallel_loop3A_159] {strides = array<i32>} : memref<48x577xf32, #tpu.memory_space<vmem>>, vector<16xf32>,
            %parallel_loop3A_161 = arith.constant 0.000000e+00 : f32
            %parallel_loop3A_162 = vector.broadcast %parallel_loop3A_161 : f32 to vector<16xf32>
            %parallel_loop3A_163 = arith.maximumf %parallel_loop3A_160, %parallel_loop3A_162 : vector<16xf32>
            %parallel_loop3A_164 = arith.addf %parallel_loop3A_157, %parallel_loop3A_163 : vector<16xf32>
            %parallel_loop3A_165 = arith.index_cast %parallel_loop3A_19 : i32 to index
            %parallel_loop3A_166 = arith.constant 176 : index
            %parallel_loop3A_167 = tpu.vector_load %arg4[%parallel_loop3A_165, %parallel_loop3A_166] {strides = array<i32>} : memref<48x577xf32, #tpu.memory_space<vmem>>, vector<16xf32>,
            %parallel_loop3A_168 = arith.constant 0.000000e+00 : f32
            %parallel_loop3A_169 = vector.broadcast %parallel_loop3A_168 : f32 to vector<16xf32>
            %parallel_loop3A_170 = arith.maximumf %parallel_loop3A_167, %parallel_loop3A_169 : vector<16xf32>
            %parallel_loop3A_171 = arith.addf %parallel_loop3A_164, %parallel_loop3A_170 : vector<16xf32>
            %parallel_loop3A_172 = arith.index_cast %parallel_loop3A_19 : i32 to index
            %parallel_loop3A_173 = arith.constant 192 : index
            %parallel_loop3A_174 = tpu.vector_load %arg4[%parallel_loop3A_172, %parallel_loop3A_173] {strides = array<i32>} : memref<48x577xf32, #tpu.memory_space<vmem>>, vector<16xf32>,
            %parallel_loop3A_175 = arith.constant 0.000000e+00 : f32
            %parallel_loop3A_176 = vector.broadcast %parallel_loop3A_175 : f32 to vector<16xf32>
            %parallel_loop3A_177 = arith.maximumf %parallel_loop3A_174, %parallel_loop3A_176 : vector<16xf32>
            %parallel_loop3A_178 = arith.addf %parallel_loop3A_171, %parallel_loop3A_177 : vector<16xf32>
            %parallel_loop3A_179 = arith.index_cast %parallel_loop3A_19 : i32 to index
            %parallel_loop3A_180 = arith.constant 208 : index
            %parallel_loop3A_181 = tpu.vector_load %arg4[%parallel_loop3A_179, %parallel_loop3A_180] {strides = array<i32>} : memref<48x577xf32, #tpu.memory_space<vmem>>, vector<16xf32>,
            %parallel_loop3A_182 = arith.constant 0.000000e+00 : f32
            %parallel_loop3A_183 = vector.broadcast %parallel_loop3A_182 : f32 to vector<16xf32>
            %parallel_loop3A_184 = arith.maximumf %parallel_loop3A_181, %parallel_loop3A_183 : vector<16xf32>
            %parallel_loop3A_185 = arith.addf %parallel_loop3A_178, %parallel_loop3A_184 : vector<16xf32>
            %parallel_loop3A_186 = arith.index_cast %parallel_loop3A_19 : i32 to index
            %parallel_loop3A_187 = arith.constant 224 : index
            %parallel_loop3A_188 = tpu.vector_load %arg4[%parallel_loop3A_186, %parallel_loop3A_187] {strides = array<i32>} : memref<48x577xf32, #tpu.memory_space<vmem>>, vector<16xf32>,
            %parallel_loop3A_189 = arith.constant 0.000000e+00 : f32
            %parallel_loop3A_190 = vector.broadcast %parallel_loop3A_189 : f32 to vector<16xf32>
            %parallel_loop3A_191 = arith.maximumf %parallel_loop3A_188, %parallel_loop3A_190 : vector<16xf32>
            %parallel_loop3A_192 = arith.addf %parallel_loop3A_185, %parallel_loop3A_191 : vector<16xf32>
            %parallel_loop3A_193 = arith.index_cast %parallel_loop3A_19 : i32 to index
            %parallel_loop3A_194 = arith.constant 240 : index
            %parallel_loop3A_195 = tpu.vector_load %arg4[%parallel_loop3A_193, %parallel_loop3A_194] {strides = array<i32>} : memref<48x577xf32, #tpu.memory_space<vmem>>, vector<16xf32>,
            %parallel_loop3A_196 = arith.constant 0.000000e+00 : f32
            %parallel_loop3A_197 = vector.broadcast %parallel_loop3A_196 : f32 to vector<16xf32>
            %parallel_loop3A_198 = arith.maximumf %parallel_loop3A_195, %parallel_loop3A_197 : vector<16xf32>
            %parallel_loop3A_199 = arith.addf %parallel_loop3A_192, %parallel_loop3A_198 : vector<16xf32>
            %parallel_loop3A_200 = arith.index_cast %parallel_loop3A_19 : i32 to index
            %parallel_loop3A_201 = arith.constant 256 : index
            %parallel_loop3A_202 = tpu.vector_load %arg4[%parallel_loop3A_200, %parallel_loop3A_201] {strides = array<i32>} : memref<48x577xf32, #tpu.memory_space<vmem>>, vector<16xf32>,
            %parallel_loop3A_203 = arith.constant 0.000000e+00 : f32
            %parallel_loop3A_204 = vector.broadcast %parallel_loop3A_203 : f32 to vector<16xf32>
            %parallel_loop3A_205 = arith.maximumf %parallel_loop3A_202, %parallel_loop3A_204 : vector<16xf32>
            %parallel_loop3A_206 = arith.addf %parallel_loop3A_199, %parallel_loop3A_205 : vector<16xf32>
            %parallel_loop3A_207 = arith.index_cast %parallel_loop3A_19 : i32 to index
            %parallel_loop3A_208 = arith.constant 272 : index
            %parallel_loop3A_209 = tpu.vector_load %arg4[%parallel_loop3A_207, %parallel_loop3A_208] {strides = array<i32>} : memref<48x577xf32, #tpu.memory_space<vmem>>, vector<16xf32>,
            %parallel_loop3A_210 = arith.constant 0.000000e+00 : f32
            %parallel_loop3A_211 = vector.broadcast %parallel_loop3A_210 : f32 to vector<16xf32>
            %parallel_loop3A_212 = arith.maximumf %parallel_loop3A_209, %parallel_loop3A_211 : vector<16xf32>
            %parallel_loop3A_213 = arith.addf %parallel_loop3A_206, %parallel_loop3A_212 : vector<16xf32>
            %parallel_loop3A_214 = arith.index_cast %parallel_loop3A_19 : i32 to index
            %parallel_loop3A_215 = arith.constant 288 : index
            %parallel_loop3A_216 = tpu.vector_load %arg4[%parallel_loop3A_214, %parallel_loop3A_215] {strides = array<i32>} : memref<48x577xf32, #tpu.memory_space<vmem>>, vector<16xf32>,
            %parallel_loop3A_217 = arith.constant 0.000000e+00 : f32
            %parallel_loop3A_218 = vector.broadcast %parallel_loop3A_217 : f32 to vector<16xf32>
            %parallel_loop3A_219 = arith.maximumf %parallel_loop3A_216, %parallel_loop3A_218 : vector<16xf32>
            %parallel_loop3A_220 = arith.addf %parallel_loop3A_213, %parallel_loop3A_219 : vector<16xf32>
            %parallel_loop3A_221 = arith.index_cast %parallel_loop3A_19 : i32 to index
            %parallel_loop3A_222 = arith.constant 304 : index
            %parallel_loop3A_223 = tpu.vector_load %arg4[%parallel_loop3A_221, %parallel_loop3A_222] {strides = array<i32>} : memref<48x577xf32, #tpu.memory_space<vmem>>, vector<16xf32>,
            %parallel_loop3A_224 = arith.constant 0.000000e+00 : f32
            %parallel_loop3A_225 = vector.broadcast %parallel_loop3A_224 : f32 to vector<16xf32>
            %parallel_loop3A_226 = arith.maximumf %parallel_loop3A_223, %parallel_loop3A_225 : vector<16xf32>
            %parallel_loop3A_227 = arith.addf %parallel_loop3A_220, %parallel_loop3A_226 : vector<16xf32>
            %parallel_loop3A_228 = arith.index_cast %parallel_loop3A_19 : i32 to index
            %parallel_loop3A_229 = arith.constant 320 : index
            %parallel_loop3A_230 = tpu.vector_load %arg4[%parallel_loop3A_228, %parallel_loop3A_229] {strides = array<i32>} : memref<48x577xf32, #tpu.memory_space<vmem>>, vector<16xf32>,
            %parallel_loop3A_231 = arith.constant 0.000000e+00 : f32
            %parallel_loop3A_232 = vector.broadcast %parallel_loop3A_231 : f32 to vector<16xf32>
            %parallel_loop3A_233 = arith.maximumf %parallel_loop3A_230, %parallel_loop3A_232 : vector<16xf32>
            %parallel_loop3A_234 = arith.addf %parallel_loop3A_227, %parallel_loop3A_233 : vector<16xf32>
            %parallel_loop3A_235 = arith.index_cast %parallel_loop3A_19 : i32 to index
            %parallel_loop3A_236 = arith.constant 336 : index
            %parallel_loop3A_237 = tpu.vector_load %arg4[%parallel_loop3A_235, %parallel_loop3A_236] {strides = array<i32>} : memref<48x577xf32, #tpu.memory_space<vmem>>, vector<16xf32>,
            %parallel_loop3A_238 = arith.constant 0.000000e+00 : f32
            %parallel_loop3A_239 = vector.broadcast %parallel_loop3A_238 : f32 to vector<16xf32>
            %parallel_loop3A_240 = arith.maximumf %parallel_loop3A_237, %parallel_loop3A_239 : vector<16xf32>
            %parallel_loop3A_241 = arith.addf %parallel_loop3A_234, %parallel_loop3A_240 : vector<16xf32>
            %parallel_loop3A_242 = arith.index_cast %parallel_loop3A_19 : i32 to index
            %parallel_loop3A_243 = arith.constant 352 : index
            %parallel_loop3A_244 = tpu.vector_load %arg4[%parallel_loop3A_242, %parallel_loop3A_243] {strides = array<i32>} : memref<48x577xf32, #tpu.memory_space<vmem>>, vector<16xf32>,
            %parallel_loop3A_245 = arith.constant 0.000000e+00 : f32
            %parallel_loop3A_246 = vector.broadcast %parallel_loop3A_245 : f32 to vector<16xf32>
            %parallel_loop3A_247 = arith.maximumf %parallel_loop3A_244, %parallel_loop3A_246 : vector<16xf32>
            %parallel_loop3A_248 = arith.addf %parallel_loop3A_241, %parallel_loop3A_247 : vector<16xf32>
            %parallel_loop3A_249 = arith.index_cast %parallel_loop3A_19 : i32 to index
            %parallel_loop3A_250 = arith.constant 368 : index
            %parallel_loop3A_251 = tpu.vector_load %arg4[%parallel_loop3A_249, %parallel_loop3A_250] {strides = array<i32>} : memref<48x577xf32, #tpu.memory_space<vmem>>, vector<16xf32>,
            %parallel_loop3A_252 = arith.constant 0.000000e+00 : f32
            %parallel_loop3A_253 = vector.broadcast %parallel_loop3A_252 : f32 to vector<16xf32>
            %parallel_loop3A_254 = arith.maximumf %parallel_loop3A_251, %parallel_loop3A_253 : vector<16xf32>
            %parallel_loop3A_255 = arith.addf %parallel_loop3A_248, %parallel_loop3A_254 : vector<16xf32>
            %parallel_loop3A_256 = arith.index_cast %parallel_loop3A_19 : i32 to index
            %parallel_loop3A_257 = arith.constant 384 : index
            %parallel_loop3A_258 = tpu.vector_load %arg4[%parallel_loop3A_256, %parallel_loop3A_257] {strides = array<i32>} : memref<48x577xf32, #tpu.memory_space<vmem>>, vector<16xf32>,
            %parallel_loop3A_259 = arith.constant 0.000000e+00 : f32
            %parallel_loop3A_260 = vector.broadcast %parallel_loop3A_259 : f32 to vector<16xf32>
            %parallel_loop3A_261 = arith.maximumf %parallel_loop3A_258, %parallel_loop3A_260 : vector<16xf32>
            %parallel_loop3A_262 = arith.addf %parallel_loop3A_255, %parallel_loop3A_261 : vector<16xf32>
            %parallel_loop3A_263 = arith.index_cast %parallel_loop3A_19 : i32 to index
            %parallel_loop3A_264 = arith.constant 400 : index
            %parallel_loop3A_265 = tpu.vector_load %arg4[%parallel_loop3A_263, %parallel_loop3A_264] {strides = array<i32>} : memref<48x577xf32, #tpu.memory_space<vmem>>, vector<16xf32>,
            %parallel_loop3A_266 = arith.constant 0.000000e+00 : f32
            %parallel_loop3A_267 = vector.broadcast %parallel_loop3A_266 : f32 to vector<16xf32>
            %parallel_loop3A_268 = arith.maximumf %parallel_loop3A_265, %parallel_loop3A_267 : vector<16xf32>
            %parallel_loop3A_269 = arith.addf %parallel_loop3A_262, %parallel_loop3A_268 : vector<16xf32>
            %parallel_loop3A_270 = arith.index_cast %parallel_loop3A_19 : i32 to index
            %parallel_loop3A_271 = arith.constant 416 : index
            %parallel_loop3A_272 = tpu.vector_load %arg4[%parallel_loop3A_270, %parallel_loop3A_271] {strides = array<i32>} : memref<48x577xf32, #tpu.memory_space<vmem>>, vector<16xf32>,
            %parallel_loop3A_273 = arith.constant 0.000000e+00 : f32
            %parallel_loop3A_274 = vector.broadcast %parallel_loop3A_273 : f32 to vector<16xf32>
            %parallel_loop3A_275 = arith.maximumf %parallel_loop3A_272, %parallel_loop3A_274 : vector<16xf32>
            %parallel_loop3A_276 = arith.addf %parallel_loop3A_269, %parallel_loop3A_275 : vector<16xf32>
            %parallel_loop3A_277 = arith.index_cast %parallel_loop3A_19 : i32 to index
            %parallel_loop3A_278 = arith.constant 432 : index
            %parallel_loop3A_279 = tpu.vector_load %arg4[%parallel_loop3A_277, %parallel_loop3A_278] {strides = array<i32>} : memref<48x577xf32, #tpu.memory_space<vmem>>, vector<16xf32>,
            %parallel_loop3A_280 = arith.constant 0.000000e+00 : f32
            %parallel_loop3A_281 = vector.broadcast %parallel_loop3A_280 : f32 to vector<16xf32>
            %parallel_loop3A_282 = arith.maximumf %parallel_loop3A_279, %parallel_loop3A_281 : vector<16xf32>
            %parallel_loop3A_283 = arith.addf %parallel_loop3A_276, %parallel_loop3A_282 : vector<16xf32>
            %parallel_loop3A_284 = arith.index_cast %parallel_loop3A_19 : i32 to index
            %parallel_loop3A_285 = arith.constant 448 : index
            %parallel_loop3A_286 = tpu.vector_load %arg4[%parallel_loop3A_284, %parallel_loop3A_285] {strides = array<i32>} : memref<48x577xf32, #tpu.memory_space<vmem>>, vector<16xf32>,
            %parallel_loop3A_287 = arith.constant 0.000000e+00 : f32
            %parallel_loop3A_288 = vector.broadcast %parallel_loop3A_287 : f32 to vector<16xf32>
            %parallel_loop3A_289 = arith.maximumf %parallel_loop3A_286, %parallel_loop3A_288 : vector<16xf32>
            %parallel_loop3A_290 = arith.addf %parallel_loop3A_283, %parallel_loop3A_289 : vector<16xf32>
            %parallel_loop3A_291 = arith.index_cast %parallel_loop3A_19 : i32 to index
            %parallel_loop3A_292 = arith.constant 464 : index
            %parallel_loop3A_293 = tpu.vector_load %arg4[%parallel_loop3A_291, %parallel_loop3A_292] {strides = array<i32>} : memref<48x577xf32, #tpu.memory_space<vmem>>, vector<16xf32>,
            %parallel_loop3A_294 = arith.constant 0.000000e+00 : f32
            %parallel_loop3A_295 = vector.broadcast %parallel_loop3A_294 : f32 to vector<16xf32>
            %parallel_loop3A_296 = arith.maximumf %parallel_loop3A_293, %parallel_loop3A_295 : vector<16xf32>
            %parallel_loop3A_297 = arith.addf %parallel_loop3A_290, %parallel_loop3A_296 : vector<16xf32>
            %parallel_loop3A_298 = arith.index_cast %parallel_loop3A_19 : i32 to index
            %parallel_loop3A_299 = arith.constant 480 : index
            %parallel_loop3A_300 = tpu.vector_load %arg4[%parallel_loop3A_298, %parallel_loop3A_299] {strides = array<i32>} : memref<48x577xf32, #tpu.memory_space<vmem>>, vector<16xf32>,
            %parallel_loop3A_301 = arith.constant 0.000000e+00 : f32
            %parallel_loop3A_302 = vector.broadcast %parallel_loop3A_301 : f32 to vector<16xf32>
            %parallel_loop3A_303 = arith.maximumf %parallel_loop3A_300, %parallel_loop3A_302 : vector<16xf32>
            %parallel_loop3A_304 = arith.addf %parallel_loop3A_297, %parallel_loop3A_303 : vector<16xf32>
            %parallel_loop3A_305 = arith.index_cast %parallel_loop3A_19 : i32 to index
            %parallel_loop3A_306 = arith.constant 496 : index
            %parallel_loop3A_307 = tpu.vector_load %arg4[%parallel_loop3A_305, %parallel_loop3A_306] {strides = array<i32>} : memref<48x577xf32, #tpu.memory_space<vmem>>, vector<16xf32>,
            %parallel_loop3A_308 = arith.constant 0.000000e+00 : f32
            %parallel_loop3A_309 = vector.broadcast %parallel_loop3A_308 : f32 to vector<16xf32>
            %parallel_loop3A_310 = arith.maximumf %parallel_loop3A_307, %parallel_loop3A_309 : vector<16xf32>
            %parallel_loop3A_311 = arith.addf %parallel_loop3A_304, %parallel_loop3A_310 : vector<16xf32>
            %parallel_loop3A_312 = arith.index_cast %parallel_loop3A_19 : i32 to index
            %parallel_loop3A_313 = arith.constant 512 : index
            %parallel_loop3A_314 = tpu.vector_load %arg4[%parallel_loop3A_312, %parallel_loop3A_313] {strides = array<i32>} : memref<48x577xf32, #tpu.memory_space<vmem>>, vector<16xf32>,
            %parallel_loop3A_315 = arith.constant 0.000000e+00 : f32
            %parallel_loop3A_316 = vector.broadcast %parallel_loop3A_315 : f32 to vector<16xf32>
            %parallel_loop3A_317 = arith.maximumf %parallel_loop3A_314, %parallel_loop3A_316 : vector<16xf32>
            %parallel_loop3A_318 = arith.addf %parallel_loop3A_311, %parallel_loop3A_317 : vector<16xf32>
            %parallel_loop3A_319 = arith.index_cast %parallel_loop3A_19 : i32 to index
            %parallel_loop3A_320 = arith.constant 528 : index
            %parallel_loop3A_321 = tpu.vector_load %arg4[%parallel_loop3A_319, %parallel_loop3A_320] {strides = array<i32>} : memref<48x577xf32, #tpu.memory_space<vmem>>, vector<16xf32>,
            %parallel_loop3A_322 = arith.constant 0.000000e+00 : f32
            %parallel_loop3A_323 = vector.broadcast %parallel_loop3A_322 : f32 to vector<16xf32>
            %parallel_loop3A_324 = arith.maximumf %parallel_loop3A_321, %parallel_loop3A_323 : vector<16xf32>
            %parallel_loop3A_325 = arith.addf %parallel_loop3A_318, %parallel_loop3A_324 : vector<16xf32>
            %parallel_loop3A_326 = arith.index_cast %parallel_loop3A_19 : i32 to index
            %parallel_loop3A_327 = arith.constant 544 : index
            %parallel_loop3A_328 = tpu.vector_load %arg4[%parallel_loop3A_326, %parallel_loop3A_327] {strides = array<i32>} : memref<48x577xf32, #tpu.memory_space<vmem>>, vector<16xf32>,
            %parallel_loop3A_329 = arith.constant 0.000000e+00 : f32
            %parallel_loop3A_330 = vector.broadcast %parallel_loop3A_329 : f32 to vector<16xf32>
            %parallel_loop3A_331 = arith.maximumf %parallel_loop3A_328, %parallel_loop3A_330 : vector<16xf32>
            %parallel_loop3A_332 = arith.addf %parallel_loop3A_325, %parallel_loop3A_331 : vector<16xf32>
            %parallel_loop3A_333 = arith.index_cast %parallel_loop3A_19 : i32 to index
            %parallel_loop3A_334 = arith.constant 560 : index
            %parallel_loop3A_335 = tpu.vector_load %arg4[%parallel_loop3A_333, %parallel_loop3A_334] {strides = array<i32>} : memref<48x577xf32, #tpu.memory_space<vmem>>, vector<16xf32>,
            %parallel_loop3A_336 = arith.constant 0.000000e+00 : f32
            %parallel_loop3A_337 = vector.broadcast %parallel_loop3A_336 : f32 to vector<16xf32>
            %parallel_loop3A_338 = arith.maximumf %parallel_loop3A_335, %parallel_loop3A_337 : vector<16xf32>
            %parallel_loop3A_339 = arith.addf %parallel_loop3A_332, %parallel_loop3A_338 : vector<16xf32>
            %parallel_loop3A_340 = vector.broadcast %parallel_loop3A_19 : i32 to vector<16xi32>
            %parallel_loop3A_341 = arith.constant 576 : i32
            %parallel_loop3A_342 = vector.broadcast %parallel_loop3A_341 : i32 to vector<16xi32>
            %parallel_loop3A_343 = tpu.vector_load_idx %arg4[%parallel_loop3A_340, %parallel_loop3A_342] : memref<48x577xf32, #tpu.memory_space<vmem>>[vector<16xi32>, vector<16xi32>], vector<16xf32>,
            %parallel_loop3A_344 = arith.constant 0.000000e+00 : f32
            %parallel_loop3A_345 = vector.broadcast %parallel_loop3A_344 : f32 to vector<16xf32>
            %parallel_loop3A_346 = arith.maximumf %parallel_loop3A_343, %parallel_loop3A_345 : vector<16xf32>
            %parallel_loop3A_347 = arith.constant 0.000000e+00 : f32
            %parallel_loop3A_348 = vector.broadcast %parallel_loop3A_347 : f32 to vector<16xf32>
            %parallel_loop3A_349 = arith.select %lt3A_2, %parallel_loop3A_346, %parallel_loop3A_348 : vector<16xi1>, vector<16xf32>
            %parallel_loop3A_350 = arith.addf %parallel_loop3A_339, %parallel_loop3A_349 : vector<16xf32>
            %parallel_loop3A_351 = arith.constant true
            %parallel_loop3A_352 = vector.broadcast %parallel_loop3A_351 : i1 to vector<16xi1>
            %parallel_loop3A_353 = tpu.scan <sum>, %parallel_loop3A_350 masked %parallel_loop3A_352 : vector<16xf32>, vector<16xi1> -> vector<16xf32>
            %parallel_loop3A_354 = vector.extract %parallel_loop3A_353[15] : f32 from vector<16xf32>
            %parallel_loop3A_355 = arith.constant 9.99999974E-6 : f32
            %parallel_loop3A_356 = arith.addf %parallel_loop3A_354, %parallel_loop3A_355 : f32
            %parallel_loop3A_357 = vector.broadcast %parallel_loop3A_356 : f32 to vector<16xf32>
            %parallel_loop3A_358 = arith.constant 1.000000e+00 : f32
            %parallel_loop3A_359 = vector.broadcast %parallel_loop3A_358 : f32 to vector<16xf32>
            %parallel_loop3A_360 = arith.divf %parallel_loop3A_359, %parallel_loop3A_357 : vector<16xf32>
            %parallel_loop3A_361 = arith.mulf %parallel_loop3A_93, %parallel_loop3A_360 : vector<16xf32>
            %parallel_loop3A_362 = arith.index_cast %parallel_loop3A_19 : i32 to index
            %parallel_loop3A_363 = arith.constant 0 : index
            %parallel_loop3A_364 = tpu.vector_load %arg4[%parallel_loop3A_362, %parallel_loop3A_363] {strides = array<i32>} : memref<48x577xf32, #tpu.memory_space<vmem>>, vector<16xf32>,
            tpu.vector_store %arg4[%parallel_loop3A_362, %parallel_loop3A_363], %parallel_loop3A_361 {strides = array<i32>} : memref<48x577xf32, #tpu.memory_space<vmem>>, vector<16xf32>,
            %parallel_loop3A_365 = arith.mulf %parallel_loop3A_100, %parallel_loop3A_360 : vector<16xf32>
            %parallel_loop3A_366 = arith.index_cast %parallel_loop3A_19 : i32 to index
            %parallel_loop3A_367 = arith.constant 16 : index
            %parallel_loop3A_368 = tpu.vector_load %arg4[%parallel_loop3A_366, %parallel_loop3A_367] {strides = array<i32>} : memref<48x577xf32, #tpu.memory_space<vmem>>, vector<16xf32>,
            tpu.vector_store %arg4[%parallel_loop3A_366, %parallel_loop3A_367], %parallel_loop3A_365 {strides = array<i32>} : memref<48x577xf32, #tpu.memory_space<vmem>>, vector<16xf32>,
            %parallel_loop3A_369 = arith.mulf %parallel_loop3A_107, %parallel_loop3A_360 : vector<16xf32>
            %parallel_loop3A_370 = arith.index_cast %parallel_loop3A_19 : i32 to index
            %parallel_loop3A_371 = arith.constant 32 : index
            %parallel_loop3A_372 = tpu.vector_load %arg4[%parallel_loop3A_370, %parallel_loop3A_371] {strides = array<i32>} : memref<48x577xf32, #tpu.memory_space<vmem>>, vector<16xf32>,
            tpu.vector_store %arg4[%parallel_loop3A_370, %parallel_loop3A_371], %parallel_loop3A_369 {strides = array<i32>} : memref<48x577xf32, #tpu.memory_space<vmem>>, vector<16xf32>,
            %parallel_loop3A_373 = arith.mulf %parallel_loop3A_114, %parallel_loop3A_360 : vector<16xf32>
            %parallel_loop3A_374 = arith.index_cast %parallel_loop3A_19 : i32 to index
            %parallel_loop3A_375 = arith.constant 48 : index
            %parallel_loop3A_376 = tpu.vector_load %arg4[%parallel_loop3A_374, %parallel_loop3A_375] {strides = array<i32>} : memref<48x577xf32, #tpu.memory_space<vmem>>, vector<16xf32>,
            tpu.vector_store %arg4[%parallel_loop3A_374, %parallel_loop3A_375], %parallel_loop3A_373 {strides = array<i32>} : memref<48x577xf32, #tpu.memory_space<vmem>>, vector<16xf32>,
            %parallel_loop3A_377 = arith.mulf %parallel_loop3A_121, %parallel_loop3A_360 : vector<16xf32>
            %parallel_loop3A_378 = arith.index_cast %parallel_loop3A_19 : i32 to index
            %parallel_loop3A_379 = arith.constant 64 : index
            %parallel_loop3A_380 = tpu.vector_load %arg4[%parallel_loop3A_378, %parallel_loop3A_379] {strides = array<i32>} : memref<48x577xf32, #tpu.memory_space<vmem>>, vector<16xf32>,
            tpu.vector_store %arg4[%parallel_loop3A_378, %parallel_loop3A_379], %parallel_loop3A_377 {strides = array<i32>} : memref<48x577xf32, #tpu.memory_space<vmem>>, vector<16xf32>,
            %parallel_loop3A_381 = arith.mulf %parallel_loop3A_128, %parallel_loop3A_360 : vector<16xf32>
            %parallel_loop3A_382 = arith.index_cast %parallel_loop3A_19 : i32 to index
            %parallel_loop3A_383 = arith.constant 80 : index
            %parallel_loop3A_384 = tpu.vector_load %arg4[%parallel_loop3A_382, %parallel_loop3A_383] {strides = array<i32>} : memref<48x577xf32, #tpu.memory_space<vmem>>, vector<16xf32>,
            tpu.vector_store %arg4[%parallel_loop3A_382, %parallel_loop3A_383], %parallel_loop3A_381 {strides = array<i32>} : memref<48x577xf32, #tpu.memory_space<vmem>>, vector<16xf32>,
            %parallel_loop3A_385 = arith.mulf %parallel_loop3A_135, %parallel_loop3A_360 : vector<16xf32>
            %parallel_loop3A_386 = arith.index_cast %parallel_loop3A_19 : i32 to index
            %parallel_loop3A_387 = arith.constant 96 : index
            %parallel_loop3A_388 = tpu.vector_load %arg4[%parallel_loop3A_386, %parallel_loop3A_387] {strides = array<i32>} : memref<48x577xf32, #tpu.memory_space<vmem>>, vector<16xf32>,
            tpu.vector_store %arg4[%parallel_loop3A_386, %parallel_loop3A_387], %parallel_loop3A_385 {strides = array<i32>} : memref<48x577xf32, #tpu.memory_space<vmem>>, vector<16xf32>,
            %parallel_loop3A_389 = arith.mulf %parallel_loop3A_142, %parallel_loop3A_360 : vector<16xf32>
            %parallel_loop3A_390 = arith.index_cast %parallel_loop3A_19 : i32 to index
            %parallel_loop3A_391 = arith.constant 112 : index
            %parallel_loop3A_392 = tpu.vector_load %arg4[%parallel_loop3A_390, %parallel_loop3A_391] {strides = array<i32>} : memref<48x577xf32, #tpu.memory_space<vmem>>, vector<16xf32>,
            tpu.vector_store %arg4[%parallel_loop3A_390, %parallel_loop3A_391], %parallel_loop3A_389 {strides = array<i32>} : memref<48x577xf32, #tpu.memory_space<vmem>>, vector<16xf32>,
            %parallel_loop3A_393 = arith.mulf %parallel_loop3A_149, %parallel_loop3A_360 : vector<16xf32>
            %parallel_loop3A_394 = arith.index_cast %parallel_loop3A_19 : i32 to index
            %parallel_loop3A_395 = arith.constant 128 : index
            %parallel_loop3A_396 = tpu.vector_load %arg4[%parallel_loop3A_394, %parallel_loop3A_395] {strides = array<i32>} : memref<48x577xf32, #tpu.memory_space<vmem>>, vector<16xf32>,
            tpu.vector_store %arg4[%parallel_loop3A_394, %parallel_loop3A_395], %parallel_loop3A_393 {strides = array<i32>} : memref<48x577xf32, #tpu.memory_space<vmem>>, vector<16xf32>,
            %parallel_loop3A_397 = arith.mulf %parallel_loop3A_156, %parallel_loop3A_360 : vector<16xf32>
            %parallel_loop3A_398 = arith.index_cast %parallel_loop3A_19 : i32 to index
            %parallel_loop3A_399 = arith.constant 144 : index
            %parallel_loop3A_400 = tpu.vector_load %arg4[%parallel_loop3A_398, %parallel_loop3A_399] {strides = array<i32>} : memref<48x577xf32, #tpu.memory_space<vmem>>, vector<16xf32>,
            tpu.vector_store %arg4[%parallel_loop3A_398, %parallel_loop3A_399], %parallel_loop3A_397 {strides = array<i32>} : memref<48x577xf32, #tpu.memory_space<vmem>>, vector<16xf32>,
            %parallel_loop3A_401 = arith.mulf %parallel_loop3A_163, %parallel_loop3A_360 : vector<16xf32>
            %parallel_loop3A_402 = arith.index_cast %parallel_loop3A_19 : i32 to index
            %parallel_loop3A_403 = arith.constant 160 : index
            %parallel_loop3A_404 = tpu.vector_load %arg4[%parallel_loop3A_402, %parallel_loop3A_403] {strides = array<i32>} : memref<48x577xf32, #tpu.memory_space<vmem>>, vector<16xf32>,
            tpu.vector_store %arg4[%parallel_loop3A_402, %parallel_loop3A_403], %parallel_loop3A_401 {strides = array<i32>} : memref<48x577xf32, #tpu.memory_space<vmem>>, vector<16xf32>,
            %parallel_loop3A_405 = arith.mulf %parallel_loop3A_170, %parallel_loop3A_360 : vector<16xf32>
            %parallel_loop3A_406 = arith.index_cast %parallel_loop3A_19 : i32 to index
            %parallel_loop3A_407 = arith.constant 176 : index
            %parallel_loop3A_408 = tpu.vector_load %arg4[%parallel_loop3A_406, %parallel_loop3A_407] {strides = array<i32>} : memref<48x577xf32, #tpu.memory_space<vmem>>, vector<16xf32>,
            tpu.vector_store %arg4[%parallel_loop3A_406, %parallel_loop3A_407], %parallel_loop3A_405 {strides = array<i32>} : memref<48x577xf32, #tpu.memory_space<vmem>>, vector<16xf32>,
            %parallel_loop3A_409 = arith.mulf %parallel_loop3A_177, %parallel_loop3A_360 : vector<16xf32>
            %parallel_loop3A_410 = arith.index_cast %parallel_loop3A_19 : i32 to index
            %parallel_loop3A_411 = arith.constant 192 : index
            %parallel_loop3A_412 = tpu.vector_load %arg4[%parallel_loop3A_410, %parallel_loop3A_411] {strides = array<i32>} : memref<48x577xf32, #tpu.memory_space<vmem>>, vector<16xf32>,
            tpu.vector_store %arg4[%parallel_loop3A_410, %parallel_loop3A_411], %parallel_loop3A_409 {strides = array<i32>} : memref<48x577xf32, #tpu.memory_space<vmem>>, vector<16xf32>,
            %parallel_loop3A_413 = arith.mulf %parallel_loop3A_184, %parallel_loop3A_360 : vector<16xf32>
            %parallel_loop3A_414 = arith.index_cast %parallel_loop3A_19 : i32 to index
            %parallel_loop3A_415 = arith.constant 208 : index
            %parallel_loop3A_416 = tpu.vector_load %arg4[%parallel_loop3A_414, %parallel_loop3A_415] {strides = array<i32>} : memref<48x577xf32, #tpu.memory_space<vmem>>, vector<16xf32>,
            tpu.vector_store %arg4[%parallel_loop3A_414, %parallel_loop3A_415], %parallel_loop3A_413 {strides = array<i32>} : memref<48x577xf32, #tpu.memory_space<vmem>>, vector<16xf32>,
            %parallel_loop3A_417 = arith.mulf %parallel_loop3A_191, %parallel_loop3A_360 : vector<16xf32>
            %parallel_loop3A_418 = arith.index_cast %parallel_loop3A_19 : i32 to index
            %parallel_loop3A_419 = arith.constant 224 : index
            %parallel_loop3A_420 = tpu.vector_load %arg4[%parallel_loop3A_418, %parallel_loop3A_419] {strides = array<i32>} : memref<48x577xf32, #tpu.memory_space<vmem>>, vector<16xf32>,
            tpu.vector_store %arg4[%parallel_loop3A_418, %parallel_loop3A_419], %parallel_loop3A_417 {strides = array<i32>} : memref<48x577xf32, #tpu.memory_space<vmem>>, vector<16xf32>,
            %parallel_loop3A_421 = arith.mulf %parallel_loop3A_198, %parallel_loop3A_360 : vector<16xf32>
            %parallel_loop3A_422 = arith.index_cast %parallel_loop3A_19 : i32 to index
            %parallel_loop3A_423 = arith.constant 240 : index
            %parallel_loop3A_424 = tpu.vector_load %arg4[%parallel_loop3A_422, %parallel_loop3A_423] {strides = array<i32>} : memref<48x577xf32, #tpu.memory_space<vmem>>, vector<16xf32>,
            tpu.vector_store %arg4[%parallel_loop3A_422, %parallel_loop3A_423], %parallel_loop3A_421 {strides = array<i32>} : memref<48x577xf32, #tpu.memory_space<vmem>>, vector<16xf32>,
            %parallel_loop3A_425 = arith.mulf %parallel_loop3A_205, %parallel_loop3A_360 : vector<16xf32>
            %parallel_loop3A_426 = arith.index_cast %parallel_loop3A_19 : i32 to index
            %parallel_loop3A_427 = arith.constant 256 : index
            %parallel_loop3A_428 = tpu.vector_load %arg4[%parallel_loop3A_426, %parallel_loop3A_427] {strides = array<i32>} : memref<48x577xf32, #tpu.memory_space<vmem>>, vector<16xf32>,
            tpu.vector_store %arg4[%parallel_loop3A_426, %parallel_loop3A_427], %parallel_loop3A_425 {strides = array<i32>} : memref<48x577xf32, #tpu.memory_space<vmem>>, vector<16xf32>,
            %parallel_loop3A_429 = arith.mulf %parallel_loop3A_212, %parallel_loop3A_360 : vector<16xf32>
            %parallel_loop3A_430 = arith.index_cast %parallel_loop3A_19 : i32 to index
            %parallel_loop3A_431 = arith.constant 272 : index
            %parallel_loop3A_432 = tpu.vector_load %arg4[%parallel_loop3A_430, %parallel_loop3A_431] {strides = array<i32>} : memref<48x577xf32, #tpu.memory_space<vmem>>, vector<16xf32>,
            tpu.vector_store %arg4[%parallel_loop3A_430, %parallel_loop3A_431], %parallel_loop3A_429 {strides = array<i32>} : memref<48x577xf32, #tpu.memory_space<vmem>>, vector<16xf32>,
            %parallel_loop3A_433 = arith.mulf %parallel_loop3A_219, %parallel_loop3A_360 : vector<16xf32>
            %parallel_loop3A_434 = arith.index_cast %parallel_loop3A_19 : i32 to index
            %parallel_loop3A_435 = arith.constant 288 : index
            %parallel_loop3A_436 = tpu.vector_load %arg4[%parallel_loop3A_434, %parallel_loop3A_435] {strides = array<i32>} : memref<48x577xf32, #tpu.memory_space<vmem>>, vector<16xf32>,
            tpu.vector_store %arg4[%parallel_loop3A_434, %parallel_loop3A_435], %parallel_loop3A_433 {strides = array<i32>} : memref<48x577xf32, #tpu.memory_space<vmem>>, vector<16xf32>,
            %parallel_loop3A_437 = arith.mulf %parallel_loop3A_226, %parallel_loop3A_360 : vector<16xf32>
            %parallel_loop3A_438 = arith.index_cast %parallel_loop3A_19 : i32 to index
            %parallel_loop3A_439 = arith.constant 304 : index
            %parallel_loop3A_440 = tpu.vector_load %arg4[%parallel_loop3A_438, %parallel_loop3A_439] {strides = array<i32>} : memref<48x577xf32, #tpu.memory_space<vmem>>, vector<16xf32>,
            tpu.vector_store %arg4[%parallel_loop3A_438, %parallel_loop3A_439], %parallel_loop3A_437 {strides = array<i32>} : memref<48x577xf32, #tpu.memory_space<vmem>>, vector<16xf32>,
            %parallel_loop3A_441 = arith.mulf %parallel_loop3A_233, %parallel_loop3A_360 : vector<16xf32>
            %parallel_loop3A_442 = arith.index_cast %parallel_loop3A_19 : i32 to index
            %parallel_loop3A_443 = arith.constant 320 : index
            %parallel_loop3A_444 = tpu.vector_load %arg4[%parallel_loop3A_442, %parallel_loop3A_443] {strides = array<i32>} : memref<48x577xf32, #tpu.memory_space<vmem>>, vector<16xf32>,
            tpu.vector_store %arg4[%parallel_loop3A_442, %parallel_loop3A_443], %parallel_loop3A_441 {strides = array<i32>} : memref<48x577xf32, #tpu.memory_space<vmem>>, vector<16xf32>,
            %parallel_loop3A_445 = arith.mulf %parallel_loop3A_240, %parallel_loop3A_360 : vector<16xf32>
            %parallel_loop3A_446 = arith.index_cast %parallel_loop3A_19 : i32 to index
            %parallel_loop3A_447 = arith.constant 336 : index
            %parallel_loop3A_448 = tpu.vector_load %arg4[%parallel_loop3A_446, %parallel_loop3A_447] {strides = array<i32>} : memref<48x577xf32, #tpu.memory_space<vmem>>, vector<16xf32>,
            tpu.vector_store %arg4[%parallel_loop3A_446, %parallel_loop3A_447], %parallel_loop3A_445 {strides = array<i32>} : memref<48x577xf32, #tpu.memory_space<vmem>>, vector<16xf32>,
            %parallel_loop3A_449 = arith.mulf %parallel_loop3A_247, %parallel_loop3A_360 : vector<16xf32>
            %parallel_loop3A_450 = arith.index_cast %parallel_loop3A_19 : i32 to index
            %parallel_loop3A_451 = arith.constant 352 : index
            %parallel_loop3A_452 = tpu.vector_load %arg4[%parallel_loop3A_450, %parallel_loop3A_451] {strides = array<i32>} : memref<48x577xf32, #tpu.memory_space<vmem>>, vector<16xf32>,
            tpu.vector_store %arg4[%parallel_loop3A_450, %parallel_loop3A_451], %parallel_loop3A_449 {strides = array<i32>} : memref<48x577xf32, #tpu.memory_space<vmem>>, vector<16xf32>,
            %parallel_loop3A_453 = arith.mulf %parallel_loop3A_254, %parallel_loop3A_360 : vector<16xf32>
            %parallel_loop3A_454 = arith.index_cast %parallel_loop3A_19 : i32 to index
            %parallel_loop3A_455 = arith.constant 368 : index
            %parallel_loop3A_456 = tpu.vector_load %arg4[%parallel_loop3A_454, %parallel_loop3A_455] {strides = array<i32>} : memref<48x577xf32, #tpu.memory_space<vmem>>, vector<16xf32>,
            tpu.vector_store %arg4[%parallel_loop3A_454, %parallel_loop3A_455], %parallel_loop3A_453 {strides = array<i32>} : memref<48x577xf32, #tpu.memory_space<vmem>>, vector<16xf32>,
            %parallel_loop3A_457 = arith.mulf %parallel_loop3A_261, %parallel_loop3A_360 : vector<16xf32>
            %parallel_loop3A_458 = arith.index_cast %parallel_loop3A_19 : i32 to index
            %parallel_loop3A_459 = arith.constant 384 : index
            %parallel_loop3A_460 = tpu.vector_load %arg4[%parallel_loop3A_458, %parallel_loop3A_459] {strides = array<i32>} : memref<48x577xf32, #tpu.memory_space<vmem>>, vector<16xf32>,
            tpu.vector_store %arg4[%parallel_loop3A_458, %parallel_loop3A_459], %parallel_loop3A_457 {strides = array<i32>} : memref<48x577xf32, #tpu.memory_space<vmem>>, vector<16xf32>,
            %parallel_loop3A_461 = arith.mulf %parallel_loop3A_268, %parallel_loop3A_360 : vector<16xf32>
            %parallel_loop3A_462 = arith.index_cast %parallel_loop3A_19 : i32 to index
            %parallel_loop3A_463 = arith.constant 400 : index
            %parallel_loop3A_464 = tpu.vector_load %arg4[%parallel_loop3A_462, %parallel_loop3A_463] {strides = array<i32>} : memref<48x577xf32, #tpu.memory_space<vmem>>, vector<16xf32>,
            tpu.vector_store %arg4[%parallel_loop3A_462, %parallel_loop3A_463], %parallel_loop3A_461 {strides = array<i32>} : memref<48x577xf32, #tpu.memory_space<vmem>>, vector<16xf32>,
            %parallel_loop3A_465 = arith.mulf %parallel_loop3A_275, %parallel_loop3A_360 : vector<16xf32>
            %parallel_loop3A_466 = arith.index_cast %parallel_loop3A_19 : i32 to index
            %parallel_loop3A_467 = arith.constant 416 : index
            %parallel_loop3A_468 = tpu.vector_load %arg4[%parallel_loop3A_466, %parallel_loop3A_467] {strides = array<i32>} : memref<48x577xf32, #tpu.memory_space<vmem>>, vector<16xf32>,
            tpu.vector_store %arg4[%parallel_loop3A_466, %parallel_loop3A_467], %parallel_loop3A_465 {strides = array<i32>} : memref<48x577xf32, #tpu.memory_space<vmem>>, vector<16xf32>,
            %parallel_loop3A_469 = arith.mulf %parallel_loop3A_282, %parallel_loop3A_360 : vector<16xf32>
            %parallel_loop3A_470 = arith.index_cast %parallel_loop3A_19 : i32 to index
            %parallel_loop3A_471 = arith.constant 432 : index
            %parallel_loop3A_472 = tpu.vector_load %arg4[%parallel_loop3A_470, %parallel_loop3A_471] {strides = array<i32>} : memref<48x577xf32, #tpu.memory_space<vmem>>, vector<16xf32>,
            tpu.vector_store %arg4[%parallel_loop3A_470, %parallel_loop3A_471], %parallel_loop3A_469 {strides = array<i32>} : memref<48x577xf32, #tpu.memory_space<vmem>>, vector<16xf32>,
            %parallel_loop3A_473 = arith.mulf %parallel_loop3A_289, %parallel_loop3A_360 : vector<16xf32>
            %parallel_loop3A_474 = arith.index_cast %parallel_loop3A_19 : i32 to index
            %parallel_loop3A_475 = arith.constant 448 : index
            %parallel_loop3A_476 = tpu.vector_load %arg4[%parallel_loop3A_474, %parallel_loop3A_475] {strides = array<i32>} : memref<48x577xf32, #tpu.memory_space<vmem>>, vector<16xf32>,
            tpu.vector_store %arg4[%parallel_loop3A_474, %parallel_loop3A_475], %parallel_loop3A_473 {strides = array<i32>} : memref<48x577xf32, #tpu.memory_space<vmem>>, vector<16xf32>,
            %parallel_loop3A_477 = arith.mulf %parallel_loop3A_296, %parallel_loop3A_360 : vector<16xf32>
            %parallel_loop3A_478 = arith.index_cast %parallel_loop3A_19 : i32 to index
            %parallel_loop3A_479 = arith.constant 464 : index
            %parallel_loop3A_480 = tpu.vector_load %arg4[%parallel_loop3A_478, %parallel_loop3A_479] {strides = array<i32>} : memref<48x577xf32, #tpu.memory_space<vmem>>, vector<16xf32>,
            tpu.vector_store %arg4[%parallel_loop3A_478, %parallel_loop3A_479], %parallel_loop3A_477 {strides = array<i32>} : memref<48x577xf32, #tpu.memory_space<vmem>>, vector<16xf32>,
            %parallel_loop3A_481 = arith.mulf %parallel_loop3A_303, %parallel_loop3A_360 : vector<16xf32>
            %parallel_loop3A_482 = arith.index_cast %parallel_loop3A_19 : i32 to index
            %parallel_loop3A_483 = arith.constant 480 : index
            %parallel_loop3A_484 = tpu.vector_load %arg4[%parallel_loop3A_482, %parallel_loop3A_483] {strides = array<i32>} : memref<48x577xf32, #tpu.memory_space<vmem>>, vector<16xf32>,
            tpu.vector_store %arg4[%parallel_loop3A_482, %parallel_loop3A_483], %parallel_loop3A_481 {strides = array<i32>} : memref<48x577xf32, #tpu.memory_space<vmem>>, vector<16xf32>,
            %parallel_loop3A_485 = arith.mulf %parallel_loop3A_310, %parallel_loop3A_360 : vector<16xf32>
            %parallel_loop3A_486 = arith.index_cast %parallel_loop3A_19 : i32 to index
            %parallel_loop3A_487 = arith.constant 496 : index
            %parallel_loop3A_488 = tpu.vector_load %arg4[%parallel_loop3A_486, %parallel_loop3A_487] {strides = array<i32>} : memref<48x577xf32, #tpu.memory_space<vmem>>, vector<16xf32>,
            tpu.vector_store %arg4[%parallel_loop3A_486, %parallel_loop3A_487], %parallel_loop3A_485 {strides = array<i32>} : memref<48x577xf32, #tpu.memory_space<vmem>>, vector<16xf32>,
            %parallel_loop3A_489 = arith.mulf %parallel_loop3A_317, %parallel_loop3A_360 : vector<16xf32>
            %parallel_loop3A_490 = arith.index_cast %parallel_loop3A_19 : i32 to index
            %parallel_loop3A_491 = arith.constant 512 : index
            %parallel_loop3A_492 = tpu.vector_load %arg4[%parallel_loop3A_490, %parallel_loop3A_491] {strides = array<i32>} : memref<48x577xf32, #tpu.memory_space<vmem>>, vector<16xf32>,
            tpu.vector_store %arg4[%parallel_loop3A_490, %parallel_loop3A_491], %parallel_loop3A_489 {strides = array<i32>} : memref<48x577xf32, #tpu.memory_space<vmem>>, vector<16xf32>,
            %parallel_loop3A_493 = arith.mulf %parallel_loop3A_324, %parallel_loop3A_360 : vector<16xf32>
            %parallel_loop3A_494 = arith.index_cast %parallel_loop3A_19 : i32 to index
            %parallel_loop3A_495 = arith.constant 528 : index
            %parallel_loop3A_496 = tpu.vector_load %arg4[%parallel_loop3A_494, %parallel_loop3A_495] {strides = array<i32>} : memref<48x577xf32, #tpu.memory_space<vmem>>, vector<16xf32>,
            tpu.vector_store %arg4[%parallel_loop3A_494, %parallel_loop3A_495], %parallel_loop3A_493 {strides = array<i32>} : memref<48x577xf32, #tpu.memory_space<vmem>>, vector<16xf32>,
            %parallel_loop3A_497 = arith.mulf %parallel_loop3A_331, %parallel_loop3A_360 : vector<16xf32>
            %parallel_loop3A_498 = arith.index_cast %parallel_loop3A_19 : i32 to index
            %parallel_loop3A_499 = arith.constant 544 : index
            %parallel_loop3A_500 = tpu.vector_load %arg4[%parallel_loop3A_498, %parallel_loop3A_499] {strides = array<i32>} : memref<48x577xf32, #tpu.memory_space<vmem>>, vector<16xf32>,
            tpu.vector_store %arg4[%parallel_loop3A_498, %parallel_loop3A_499], %parallel_loop3A_497 {strides = array<i32>} : memref<48x577xf32, #tpu.memory_space<vmem>>, vector<16xf32>,
            %parallel_loop3A_501 = arith.mulf %parallel_loop3A_338, %parallel_loop3A_360 : vector<16xf32>
            %parallel_loop3A_502 = arith.index_cast %parallel_loop3A_19 : i32 to index
            %parallel_loop3A_503 = arith.constant 560 : index
            %parallel_loop3A_504 = tpu.vector_load %arg4[%parallel_loop3A_502, %parallel_loop3A_503] {strides = array<i32>} : memref<48x577xf32, #tpu.memory_space<vmem>>, vector<16xf32>,
            tpu.vector_store %arg4[%parallel_loop3A_502, %parallel_loop3A_503], %parallel_loop3A_501 {strides = array<i32>} : memref<48x577xf32, #tpu.memory_space<vmem>>, vector<16xf32>,
            %parallel_loop3A_505 = arith.mulf %parallel_loop3A_346, %parallel_loop3A_360 : vector<16xf32>
            tpu.vector_store_idx %arg4[%parallel_loop3A_340, %parallel_loop3A_342], %parallel_loop3A_505 masked %lt3A_2 : memref<48x577xf32, #tpu.memory_space<vmem>>[vector<16xi32>, vector<16xi32>], vector<16xf32>, vector<16xi1>
          } else {
          }
          %parallel_loop3A_83 = arith.extui %parallel_loop3A_79 : i1 to i32
          %parallel_loop3A_84 = arith.constant 0 : i32
          %parallel_loop3A_85 = arith.cmpi ne, %parallel_loop3A_83, %parallel_loop3A_84 : i32
          scf.if %parallel_loop3A_85 {
            %parallel_loop3A_86 = arith.index_cast %parallel_loop3A_19 : i32 to index
            %parallel_loop3A_87 = arith.constant 0 : index
            %parallel_loop3A_88 = tpu.vector_load %arg4[%parallel_loop3A_86, %parallel_loop3A_87] {strides = array<i32>} : memref<48x577xf32, #tpu.memory_space<vmem>>, vector<16xf32>,
            %parallel_loop3A_89 = arith.constant 0.00173310225 : f32
            %parallel_loop3A_90 = vector.broadcast %parallel_loop3A_89 : f32 to vector<16xf32>
            %parallel_loop3A_91 = arith.mulf %parallel_loop3A_88, %parallel_loop3A_90 : vector<16xf32>
            %parallel_loop3A_92 = arith.index_cast %parallel_loop3A_19 : i32 to index
            %parallel_loop3A_93 = arith.constant 0 : index
            %parallel_loop3A_94 = tpu.vector_load %arg4[%parallel_loop3A_92, %parallel_loop3A_93] {strides = array<i32>} : memref<48x577xf32, #tpu.memory_space<vmem>>, vector<16xf32>,
            tpu.vector_store %arg4[%parallel_loop3A_92, %parallel_loop3A_93], %parallel_loop3A_91 {strides = array<i32>} : memref<48x577xf32, #tpu.memory_space<vmem>>, vector<16xf32>,
            %parallel_loop3A_95 = arith.index_cast %parallel_loop3A_19 : i32 to index
            %parallel_loop3A_96 = arith.constant 16 : index
            %parallel_loop3A_97 = tpu.vector_load %arg4[%parallel_loop3A_95, %parallel_loop3A_96] {strides = array<i32>} : memref<48x577xf32, #tpu.memory_space<vmem>>, vector<16xf32>,
            %parallel_loop3A_98 = arith.constant 0.00173310225 : f32
            %parallel_loop3A_99 = vector.broadcast %parallel_loop3A_98 : f32 to vector<16xf32>
            %parallel_loop3A_100 = arith.mulf %parallel_loop3A_97, %parallel_loop3A_99 : vector<16xf32>
            %parallel_loop3A_101 = arith.index_cast %parallel_loop3A_19 : i32 to index
            %parallel_loop3A_102 = arith.constant 16 : index
            %parallel_loop3A_103 = tpu.vector_load %arg4[%parallel_loop3A_101, %parallel_loop3A_102] {strides = array<i32>} : memref<48x577xf32, #tpu.memory_space<vmem>>, vector<16xf32>,
            tpu.vector_store %arg4[%parallel_loop3A_101, %parallel_loop3A_102], %parallel_loop3A_100 {strides = array<i32>} : memref<48x577xf32, #tpu.memory_space<vmem>>, vector<16xf32>,
            %parallel_loop3A_104 = arith.index_cast %parallel_loop3A_19 : i32 to index
            %parallel_loop3A_105 = arith.constant 32 : index
            %parallel_loop3A_106 = tpu.vector_load %arg4[%parallel_loop3A_104, %parallel_loop3A_105] {strides = array<i32>} : memref<48x577xf32, #tpu.memory_space<vmem>>, vector<16xf32>,
            %parallel_loop3A_107 = arith.constant 0.00173310225 : f32
            %parallel_loop3A_108 = vector.broadcast %parallel_loop3A_107 : f32 to vector<16xf32>
            %parallel_loop3A_109 = arith.mulf %parallel_loop3A_106, %parallel_loop3A_108 : vector<16xf32>
            %parallel_loop3A_110 = arith.index_cast %parallel_loop3A_19 : i32 to index
            %parallel_loop3A_111 = arith.constant 32 : index
            %parallel_loop3A_112 = tpu.vector_load %arg4[%parallel_loop3A_110, %parallel_loop3A_111] {strides = array<i32>} : memref<48x577xf32, #tpu.memory_space<vmem>>, vector<16xf32>,
            tpu.vector_store %arg4[%parallel_loop3A_110, %parallel_loop3A_111], %parallel_loop3A_109 {strides = array<i32>} : memref<48x577xf32, #tpu.memory_space<vmem>>, vector<16xf32>,
            %parallel_loop3A_113 = arith.index_cast %parallel_loop3A_19 : i32 to index
            %parallel_loop3A_114 = arith.constant 48 : index
            %parallel_loop3A_115 = tpu.vector_load %arg4[%parallel_loop3A_113, %parallel_loop3A_114] {strides = array<i32>} : memref<48x577xf32, #tpu.memory_space<vmem>>, vector<16xf32>,
            %parallel_loop3A_116 = arith.constant 0.00173310225 : f32
            %parallel_loop3A_117 = vector.broadcast %parallel_loop3A_116 : f32 to vector<16xf32>
            %parallel_loop3A_118 = arith.mulf %parallel_loop3A_115, %parallel_loop3A_117 : vector<16xf32>
            %parallel_loop3A_119 = arith.index_cast %parallel_loop3A_19 : i32 to index
            %parallel_loop3A_120 = arith.constant 48 : index
            %parallel_loop3A_121 = tpu.vector_load %arg4[%parallel_loop3A_119, %parallel_loop3A_120] {strides = array<i32>} : memref<48x577xf32, #tpu.memory_space<vmem>>, vector<16xf32>,
            tpu.vector_store %arg4[%parallel_loop3A_119, %parallel_loop3A_120], %parallel_loop3A_118 {strides = array<i32>} : memref<48x577xf32, #tpu.memory_space<vmem>>, vector<16xf32>,
            %parallel_loop3A_122 = arith.index_cast %parallel_loop3A_19 : i32 to index
            %parallel_loop3A_123 = arith.constant 64 : index
            %parallel_loop3A_124 = tpu.vector_load %arg4[%parallel_loop3A_122, %parallel_loop3A_123] {strides = array<i32>} : memref<48x577xf32, #tpu.memory_space<vmem>>, vector<16xf32>,
            %parallel_loop3A_125 = arith.constant 0.00173310225 : f32
            %parallel_loop3A_126 = vector.broadcast %parallel_loop3A_125 : f32 to vector<16xf32>
            %parallel_loop3A_127 = arith.mulf %parallel_loop3A_124, %parallel_loop3A_126 : vector<16xf32>
            %parallel_loop3A_128 = arith.index_cast %parallel_loop3A_19 : i32 to index
            %parallel_loop3A_129 = arith.constant 64 : index
            %parallel_loop3A_130 = tpu.vector_load %arg4[%parallel_loop3A_128, %parallel_loop3A_129] {strides = array<i32>} : memref<48x577xf32, #tpu.memory_space<vmem>>, vector<16xf32>,
            tpu.vector_store %arg4[%parallel_loop3A_128, %parallel_loop3A_129], %parallel_loop3A_127 {strides = array<i32>} : memref<48x577xf32, #tpu.memory_space<vmem>>, vector<16xf32>,
            %parallel_loop3A_131 = arith.index_cast %parallel_loop3A_19 : i32 to index
            %parallel_loop3A_132 = arith.constant 80 : index
            %parallel_loop3A_133 = tpu.vector_load %arg4[%parallel_loop3A_131, %parallel_loop3A_132] {strides = array<i32>} : memref<48x577xf32, #tpu.memory_space<vmem>>, vector<16xf32>,
            %parallel_loop3A_134 = arith.constant 0.00173310225 : f32
            %parallel_loop3A_135 = vector.broadcast %parallel_loop3A_134 : f32 to vector<16xf32>
            %parallel_loop3A_136 = arith.mulf %parallel_loop3A_133, %parallel_loop3A_135 : vector<16xf32>
            %parallel_loop3A_137 = arith.index_cast %parallel_loop3A_19 : i32 to index
            %parallel_loop3A_138 = arith.constant 80 : index
            %parallel_loop3A_139 = tpu.vector_load %arg4[%parallel_loop3A_137, %parallel_loop3A_138] {strides = array<i32>} : memref<48x577xf32, #tpu.memory_space<vmem>>, vector<16xf32>,
            tpu.vector_store %arg4[%parallel_loop3A_137, %parallel_loop3A_138], %parallel_loop3A_136 {strides = array<i32>} : memref<48x577xf32, #tpu.memory_space<vmem>>, vector<16xf32>,
            %parallel_loop3A_140 = arith.index_cast %parallel_loop3A_19 : i32 to index
            %parallel_loop3A_141 = arith.constant 96 : index
            %parallel_loop3A_142 = tpu.vector_load %arg4[%parallel_loop3A_140, %parallel_loop3A_141] {strides = array<i32>} : memref<48x577xf32, #tpu.memory_space<vmem>>, vector<16xf32>,
            %parallel_loop3A_143 = arith.constant 0.00173310225 : f32
            %parallel_loop3A_144 = vector.broadcast %parallel_loop3A_143 : f32 to vector<16xf32>
            %parallel_loop3A_145 = arith.mulf %parallel_loop3A_142, %parallel_loop3A_144 : vector<16xf32>
            %parallel_loop3A_146 = arith.index_cast %parallel_loop3A_19 : i32 to index
            %parallel_loop3A_147 = arith.constant 96 : index
            %parallel_loop3A_148 = tpu.vector_load %arg4[%parallel_loop3A_146, %parallel_loop3A_147] {strides = array<i32>} : memref<48x577xf32, #tpu.memory_space<vmem>>, vector<16xf32>,
            tpu.vector_store %arg4[%parallel_loop3A_146, %parallel_loop3A_147], %parallel_loop3A_145 {strides = array<i32>} : memref<48x577xf32, #tpu.memory_space<vmem>>, vector<16xf32>,
            %parallel_loop3A_149 = arith.index_cast %parallel_loop3A_19 : i32 to index
            %parallel_loop3A_150 = arith.constant 112 : index
            %parallel_loop3A_151 = tpu.vector_load %arg4[%parallel_loop3A_149, %parallel_loop3A_150] {strides = array<i32>} : memref<48x577xf32, #tpu.memory_space<vmem>>, vector<16xf32>,
            %parallel_loop3A_152 = arith.constant 0.00173310225 : f32
            %parallel_loop3A_153 = vector.broadcast %parallel_loop3A_152 : f32 to vector<16xf32>
            %parallel_loop3A_154 = arith.mulf %parallel_loop3A_151, %parallel_loop3A_153 : vector<16xf32>
            %parallel_loop3A_155 = arith.index_cast %parallel_loop3A_19 : i32 to index
            %parallel_loop3A_156 = arith.constant 112 : index
            %parallel_loop3A_157 = tpu.vector_load %arg4[%parallel_loop3A_155, %parallel_loop3A_156] {strides = array<i32>} : memref<48x577xf32, #tpu.memory_space<vmem>>, vector<16xf32>,
            tpu.vector_store %arg4[%parallel_loop3A_155, %parallel_loop3A_156], %parallel_loop3A_154 {strides = array<i32>} : memref<48x577xf32, #tpu.memory_space<vmem>>, vector<16xf32>,
            %parallel_loop3A_158 = arith.index_cast %parallel_loop3A_19 : i32 to index
            %parallel_loop3A_159 = arith.constant 128 : index
            %parallel_loop3A_160 = tpu.vector_load %arg4[%parallel_loop3A_158, %parallel_loop3A_159] {strides = array<i32>} : memref<48x577xf32, #tpu.memory_space<vmem>>, vector<16xf32>,
            %parallel_loop3A_161 = arith.constant 0.00173310225 : f32
            %parallel_loop3A_162 = vector.broadcast %parallel_loop3A_161 : f32 to vector<16xf32>
            %parallel_loop3A_163 = arith.mulf %parallel_loop3A_160, %parallel_loop3A_162 : vector<16xf32>
            %parallel_loop3A_164 = arith.index_cast %parallel_loop3A_19 : i32 to index
            %parallel_loop3A_165 = arith.constant 128 : index
            %parallel_loop3A_166 = tpu.vector_load %arg4[%parallel_loop3A_164, %parallel_loop3A_165] {strides = array<i32>} : memref<48x577xf32, #tpu.memory_space<vmem>>, vector<16xf32>,
            tpu.vector_store %arg4[%parallel_loop3A_164, %parallel_loop3A_165], %parallel_loop3A_163 {strides = array<i32>} : memref<48x577xf32, #tpu.memory_space<vmem>>, vector<16xf32>,
            %parallel_loop3A_167 = arith.index_cast %parallel_loop3A_19 : i32 to index
            %parallel_loop3A_168 = arith.constant 144 : index
            %parallel_loop3A_169 = tpu.vector_load %arg4[%parallel_loop3A_167, %parallel_loop3A_168] {strides = array<i32>} : memref<48x577xf32, #tpu.memory_space<vmem>>, vector<16xf32>,
            %parallel_loop3A_170 = arith.constant 0.00173310225 : f32
            %parallel_loop3A_171 = vector.broadcast %parallel_loop3A_170 : f32 to vector<16xf32>
            %parallel_loop3A_172 = arith.mulf %parallel_loop3A_169, %parallel_loop3A_171 : vector<16xf32>
            %parallel_loop3A_173 = arith.index_cast %parallel_loop3A_19 : i32 to index
            %parallel_loop3A_174 = arith.constant 144 : index
            %parallel_loop3A_175 = tpu.vector_load %arg4[%parallel_loop3A_173, %parallel_loop3A_174] {strides = array<i32>} : memref<48x577xf32, #tpu.memory_space<vmem>>, vector<16xf32>,
            tpu.vector_store %arg4[%parallel_loop3A_173, %parallel_loop3A_174], %parallel_loop3A_172 {strides = array<i32>} : memref<48x577xf32, #tpu.memory_space<vmem>>, vector<16xf32>,
            %parallel_loop3A_176 = arith.index_cast %parallel_loop3A_19 : i32 to index
            %parallel_loop3A_177 = arith.constant 160 : index
            %parallel_loop3A_178 = tpu.vector_load %arg4[%parallel_loop3A_176, %parallel_loop3A_177] {strides = array<i32>} : memref<48x577xf32, #tpu.memory_space<vmem>>, vector<16xf32>,
            %parallel_loop3A_179 = arith.constant 0.00173310225 : f32
            %parallel_loop3A_180 = vector.broadcast %parallel_loop3A_179 : f32 to vector<16xf32>
            %parallel_loop3A_181 = arith.mulf %parallel_loop3A_178, %parallel_loop3A_180 : vector<16xf32>
            %parallel_loop3A_182 = arith.index_cast %parallel_loop3A_19 : i32 to index
            %parallel_loop3A_183 = arith.constant 160 : index
            %parallel_loop3A_184 = tpu.vector_load %arg4[%parallel_loop3A_182, %parallel_loop3A_183] {strides = array<i32>} : memref<48x577xf32, #tpu.memory_space<vmem>>, vector<16xf32>,
            tpu.vector_store %arg4[%parallel_loop3A_182, %parallel_loop3A_183], %parallel_loop3A_181 {strides = array<i32>} : memref<48x577xf32, #tpu.memory_space<vmem>>, vector<16xf32>,
            %parallel_loop3A_185 = arith.index_cast %parallel_loop3A_19 : i32 to index
            %parallel_loop3A_186 = arith.constant 176 : index
            %parallel_loop3A_187 = tpu.vector_load %arg4[%parallel_loop3A_185, %parallel_loop3A_186] {strides = array<i32>} : memref<48x577xf32, #tpu.memory_space<vmem>>, vector<16xf32>,
            %parallel_loop3A_188 = arith.constant 0.00173310225 : f32
            %parallel_loop3A_189 = vector.broadcast %parallel_loop3A_188 : f32 to vector<16xf32>
            %parallel_loop3A_190 = arith.mulf %parallel_loop3A_187, %parallel_loop3A_189 : vector<16xf32>
            %parallel_loop3A_191 = arith.index_cast %parallel_loop3A_19 : i32 to index
            %parallel_loop3A_192 = arith.constant 176 : index
            %parallel_loop3A_193 = tpu.vector_load %arg4[%parallel_loop3A_191, %parallel_loop3A_192] {strides = array<i32>} : memref<48x577xf32, #tpu.memory_space<vmem>>, vector<16xf32>,
            tpu.vector_store %arg4[%parallel_loop3A_191, %parallel_loop3A_192], %parallel_loop3A_190 {strides = array<i32>} : memref<48x577xf32, #tpu.memory_space<vmem>>, vector<16xf32>,
            %parallel_loop3A_194 = arith.index_cast %parallel_loop3A_19 : i32 to index
            %parallel_loop3A_195 = arith.constant 192 : index
            %parallel_loop3A_196 = tpu.vector_load %arg4[%parallel_loop3A_194, %parallel_loop3A_195] {strides = array<i32>} : memref<48x577xf32, #tpu.memory_space<vmem>>, vector<16xf32>,
            %parallel_loop3A_197 = arith.constant 0.00173310225 : f32
            %parallel_loop3A_198 = vector.broadcast %parallel_loop3A_197 : f32 to vector<16xf32>
            %parallel_loop3A_199 = arith.mulf %parallel_loop3A_196, %parallel_loop3A_198 : vector<16xf32>
            %parallel_loop3A_200 = arith.index_cast %parallel_loop3A_19 : i32 to index
            %parallel_loop3A_201 = arith.constant 192 : index
            %parallel_loop3A_202 = tpu.vector_load %arg4[%parallel_loop3A_200, %parallel_loop3A_201] {strides = array<i32>} : memref<48x577xf32, #tpu.memory_space<vmem>>, vector<16xf32>,
            tpu.vector_store %arg4[%parallel_loop3A_200, %parallel_loop3A_201], %parallel_loop3A_199 {strides = array<i32>} : memref<48x577xf32, #tpu.memory_space<vmem>>, vector<16xf32>,
            %parallel_loop3A_203 = arith.index_cast %parallel_loop3A_19 : i32 to index
            %parallel_loop3A_204 = arith.constant 208 : index
            %parallel_loop3A_205 = tpu.vector_load %arg4[%parallel_loop3A_203, %parallel_loop3A_204] {strides = array<i32>} : memref<48x577xf32, #tpu.memory_space<vmem>>, vector<16xf32>,
            %parallel_loop3A_206 = arith.constant 0.00173310225 : f32
            %parallel_loop3A_207 = vector.broadcast %parallel_loop3A_206 : f32 to vector<16xf32>
            %parallel_loop3A_208 = arith.mulf %parallel_loop3A_205, %parallel_loop3A_207 : vector<16xf32>
            %parallel_loop3A_209 = arith.index_cast %parallel_loop3A_19 : i32 to index
            %parallel_loop3A_210 = arith.constant 208 : index
            %parallel_loop3A_211 = tpu.vector_load %arg4[%parallel_loop3A_209, %parallel_loop3A_210] {strides = array<i32>} : memref<48x577xf32, #tpu.memory_space<vmem>>, vector<16xf32>,
            tpu.vector_store %arg4[%parallel_loop3A_209, %parallel_loop3A_210], %parallel_loop3A_208 {strides = array<i32>} : memref<48x577xf32, #tpu.memory_space<vmem>>, vector<16xf32>,
            %parallel_loop3A_212 = arith.index_cast %parallel_loop3A_19 : i32 to index
            %parallel_loop3A_213 = arith.constant 224 : index
            %parallel_loop3A_214 = tpu.vector_load %arg4[%parallel_loop3A_212, %parallel_loop3A_213] {strides = array<i32>} : memref<48x577xf32, #tpu.memory_space<vmem>>, vector<16xf32>,
            %parallel_loop3A_215 = arith.constant 0.00173310225 : f32
            %parallel_loop3A_216 = vector.broadcast %parallel_loop3A_215 : f32 to vector<16xf32>
            %parallel_loop3A_217 = arith.mulf %parallel_loop3A_214, %parallel_loop3A_216 : vector<16xf32>
            %parallel_loop3A_218 = arith.index_cast %parallel_loop3A_19 : i32 to index
            %parallel_loop3A_219 = arith.constant 224 : index
            %parallel_loop3A_220 = tpu.vector_load %arg4[%parallel_loop3A_218, %parallel_loop3A_219] {strides = array<i32>} : memref<48x577xf32, #tpu.memory_space<vmem>>, vector<16xf32>,
            tpu.vector_store %arg4[%parallel_loop3A_218, %parallel_loop3A_219], %parallel_loop3A_217 {strides = array<i32>} : memref<48x577xf32, #tpu.memory_space<vmem>>, vector<16xf32>,
            %parallel_loop3A_221 = arith.index_cast %parallel_loop3A_19 : i32 to index
            %parallel_loop3A_222 = arith.constant 240 : index
            %parallel_loop3A_223 = tpu.vector_load %arg4[%parallel_loop3A_221, %parallel_loop3A_222] {strides = array<i32>} : memref<48x577xf32, #tpu.memory_space<vmem>>, vector<16xf32>,
            %parallel_loop3A_224 = arith.constant 0.00173310225 : f32
            %parallel_loop3A_225 = vector.broadcast %parallel_loop3A_224 : f32 to vector<16xf32>
            %parallel_loop3A_226 = arith.mulf %parallel_loop3A_223, %parallel_loop3A_225 : vector<16xf32>
            %parallel_loop3A_227 = arith.index_cast %parallel_loop3A_19 : i32 to index
            %parallel_loop3A_228 = arith.constant 240 : index
            %parallel_loop3A_229 = tpu.vector_load %arg4[%parallel_loop3A_227, %parallel_loop3A_228] {strides = array<i32>} : memref<48x577xf32, #tpu.memory_space<vmem>>, vector<16xf32>,
            tpu.vector_store %arg4[%parallel_loop3A_227, %parallel_loop3A_228], %parallel_loop3A_226 {strides = array<i32>} : memref<48x577xf32, #tpu.memory_space<vmem>>, vector<16xf32>,
            %parallel_loop3A_230 = arith.index_cast %parallel_loop3A_19 : i32 to index
            %parallel_loop3A_231 = arith.constant 256 : index
            %parallel_loop3A_232 = tpu.vector_load %arg4[%parallel_loop3A_230, %parallel_loop3A_231] {strides = array<i32>} : memref<48x577xf32, #tpu.memory_space<vmem>>, vector<16xf32>,
            %parallel_loop3A_233 = arith.constant 0.00173310225 : f32
            %parallel_loop3A_234 = vector.broadcast %parallel_loop3A_233 : f32 to vector<16xf32>
            %parallel_loop3A_235 = arith.mulf %parallel_loop3A_232, %parallel_loop3A_234 : vector<16xf32>
            %parallel_loop3A_236 = arith.index_cast %parallel_loop3A_19 : i32 to index
            %parallel_loop3A_237 = arith.constant 256 : index
            %parallel_loop3A_238 = tpu.vector_load %arg4[%parallel_loop3A_236, %parallel_loop3A_237] {strides = array<i32>} : memref<48x577xf32, #tpu.memory_space<vmem>>, vector<16xf32>,
            tpu.vector_store %arg4[%parallel_loop3A_236, %parallel_loop3A_237], %parallel_loop3A_235 {strides = array<i32>} : memref<48x577xf32, #tpu.memory_space<vmem>>, vector<16xf32>,
            %parallel_loop3A_239 = arith.index_cast %parallel_loop3A_19 : i32 to index
            %parallel_loop3A_240 = arith.constant 272 : index
            %parallel_loop3A_241 = tpu.vector_load %arg4[%parallel_loop3A_239, %parallel_loop3A_240] {strides = array<i32>} : memref<48x577xf32, #tpu.memory_space<vmem>>, vector<16xf32>,
            %parallel_loop3A_242 = arith.constant 0.00173310225 : f32
            %parallel_loop3A_243 = vector.broadcast %parallel_loop3A_242 : f32 to vector<16xf32>
            %parallel_loop3A_244 = arith.mulf %parallel_loop3A_241, %parallel_loop3A_243 : vector<16xf32>
            %parallel_loop3A_245 = arith.index_cast %parallel_loop3A_19 : i32 to index
            %parallel_loop3A_246 = arith.constant 272 : index
            %parallel_loop3A_247 = tpu.vector_load %arg4[%parallel_loop3A_245, %parallel_loop3A_246] {strides = array<i32>} : memref<48x577xf32, #tpu.memory_space<vmem>>, vector<16xf32>,
            tpu.vector_store %arg4[%parallel_loop3A_245, %parallel_loop3A_246], %parallel_loop3A_244 {strides = array<i32>} : memref<48x577xf32, #tpu.memory_space<vmem>>, vector<16xf32>,
            %parallel_loop3A_248 = arith.index_cast %parallel_loop3A_19 : i32 to index
            %parallel_loop3A_249 = arith.constant 288 : index
            %parallel_loop3A_250 = tpu.vector_load %arg4[%parallel_loop3A_248, %parallel_loop3A_249] {strides = array<i32>} : memref<48x577xf32, #tpu.memory_space<vmem>>, vector<16xf32>,
            %parallel_loop3A_251 = arith.constant 0.00173310225 : f32
            %parallel_loop3A_252 = vector.broadcast %parallel_loop3A_251 : f32 to vector<16xf32>
            %parallel_loop3A_253 = arith.mulf %parallel_loop3A_250, %parallel_loop3A_252 : vector<16xf32>
            %parallel_loop3A_254 = arith.index_cast %parallel_loop3A_19 : i32 to index
            %parallel_loop3A_255 = arith.constant 288 : index
            %parallel_loop3A_256 = tpu.vector_load %arg4[%parallel_loop3A_254, %parallel_loop3A_255] {strides = array<i32>} : memref<48x577xf32, #tpu.memory_space<vmem>>, vector<16xf32>,
            tpu.vector_store %arg4[%parallel_loop3A_254, %parallel_loop3A_255], %parallel_loop3A_253 {strides = array<i32>} : memref<48x577xf32, #tpu.memory_space<vmem>>, vector<16xf32>,
            %parallel_loop3A_257 = arith.index_cast %parallel_loop3A_19 : i32 to index
            %parallel_loop3A_258 = arith.constant 304 : index
            %parallel_loop3A_259 = tpu.vector_load %arg4[%parallel_loop3A_257, %parallel_loop3A_258] {strides = array<i32>} : memref<48x577xf32, #tpu.memory_space<vmem>>, vector<16xf32>,
            %parallel_loop3A_260 = arith.constant 0.00173310225 : f32
            %parallel_loop3A_261 = vector.broadcast %parallel_loop3A_260 : f32 to vector<16xf32>
            %parallel_loop3A_262 = arith.mulf %parallel_loop3A_259, %parallel_loop3A_261 : vector<16xf32>
            %parallel_loop3A_263 = arith.index_cast %parallel_loop3A_19 : i32 to index
            %parallel_loop3A_264 = arith.constant 304 : index
            %parallel_loop3A_265 = tpu.vector_load %arg4[%parallel_loop3A_263, %parallel_loop3A_264] {strides = array<i32>} : memref<48x577xf32, #tpu.memory_space<vmem>>, vector<16xf32>,
            tpu.vector_store %arg4[%parallel_loop3A_263, %parallel_loop3A_264], %parallel_loop3A_262 {strides = array<i32>} : memref<48x577xf32, #tpu.memory_space<vmem>>, vector<16xf32>,
            %parallel_loop3A_266 = arith.index_cast %parallel_loop3A_19 : i32 to index
            %parallel_loop3A_267 = arith.constant 320 : index
            %parallel_loop3A_268 = tpu.vector_load %arg4[%parallel_loop3A_266, %parallel_loop3A_267] {strides = array<i32>} : memref<48x577xf32, #tpu.memory_space<vmem>>, vector<16xf32>,
            %parallel_loop3A_269 = arith.constant 0.00173310225 : f32
            %parallel_loop3A_270 = vector.broadcast %parallel_loop3A_269 : f32 to vector<16xf32>
            %parallel_loop3A_271 = arith.mulf %parallel_loop3A_268, %parallel_loop3A_270 : vector<16xf32>
            %parallel_loop3A_272 = arith.index_cast %parallel_loop3A_19 : i32 to index
            %parallel_loop3A_273 = arith.constant 320 : index
            %parallel_loop3A_274 = tpu.vector_load %arg4[%parallel_loop3A_272, %parallel_loop3A_273] {strides = array<i32>} : memref<48x577xf32, #tpu.memory_space<vmem>>, vector<16xf32>,
            tpu.vector_store %arg4[%parallel_loop3A_272, %parallel_loop3A_273], %parallel_loop3A_271 {strides = array<i32>} : memref<48x577xf32, #tpu.memory_space<vmem>>, vector<16xf32>,
            %parallel_loop3A_275 = arith.index_cast %parallel_loop3A_19 : i32 to index
            %parallel_loop3A_276 = arith.constant 336 : index
            %parallel_loop3A_277 = tpu.vector_load %arg4[%parallel_loop3A_275, %parallel_loop3A_276] {strides = array<i32>} : memref<48x577xf32, #tpu.memory_space<vmem>>, vector<16xf32>,
            %parallel_loop3A_278 = arith.constant 0.00173310225 : f32
            %parallel_loop3A_279 = vector.broadcast %parallel_loop3A_278 : f32 to vector<16xf32>
            %parallel_loop3A_280 = arith.mulf %parallel_loop3A_277, %parallel_loop3A_279 : vector<16xf32>
            %parallel_loop3A_281 = arith.index_cast %parallel_loop3A_19 : i32 to index
            %parallel_loop3A_282 = arith.constant 336 : index
            %parallel_loop3A_283 = tpu.vector_load %arg4[%parallel_loop3A_281, %parallel_loop3A_282] {strides = array<i32>} : memref<48x577xf32, #tpu.memory_space<vmem>>, vector<16xf32>,
            tpu.vector_store %arg4[%parallel_loop3A_281, %parallel_loop3A_282], %parallel_loop3A_280 {strides = array<i32>} : memref<48x577xf32, #tpu.memory_space<vmem>>, vector<16xf32>,
            %parallel_loop3A_284 = arith.index_cast %parallel_loop3A_19 : i32 to index
            %parallel_loop3A_285 = arith.constant 352 : index
            %parallel_loop3A_286 = tpu.vector_load %arg4[%parallel_loop3A_284, %parallel_loop3A_285] {strides = array<i32>} : memref<48x577xf32, #tpu.memory_space<vmem>>, vector<16xf32>,
            %parallel_loop3A_287 = arith.constant 0.00173310225 : f32
            %parallel_loop3A_288 = vector.broadcast %parallel_loop3A_287 : f32 to vector<16xf32>
            %parallel_loop3A_289 = arith.mulf %parallel_loop3A_286, %parallel_loop3A_288 : vector<16xf32>
            %parallel_loop3A_290 = arith.index_cast %parallel_loop3A_19 : i32 to index
            %parallel_loop3A_291 = arith.constant 352 : index
            %parallel_loop3A_292 = tpu.vector_load %arg4[%parallel_loop3A_290, %parallel_loop3A_291] {strides = array<i32>} : memref<48x577xf32, #tpu.memory_space<vmem>>, vector<16xf32>,
            tpu.vector_store %arg4[%parallel_loop3A_290, %parallel_loop3A_291], %parallel_loop3A_289 {strides = array<i32>} : memref<48x577xf32, #tpu.memory_space<vmem>>, vector<16xf32>,
            %parallel_loop3A_293 = arith.index_cast %parallel_loop3A_19 : i32 to index
            %parallel_loop3A_294 = arith.constant 368 : index
            %parallel_loop3A_295 = tpu.vector_load %arg4[%parallel_loop3A_293, %parallel_loop3A_294] {strides = array<i32>} : memref<48x577xf32, #tpu.memory_space<vmem>>, vector<16xf32>,
            %parallel_loop3A_296 = arith.constant 0.00173310225 : f32
            %parallel_loop3A_297 = vector.broadcast %parallel_loop3A_296 : f32 to vector<16xf32>
            %parallel_loop3A_298 = arith.mulf %parallel_loop3A_295, %parallel_loop3A_297 : vector<16xf32>
            %parallel_loop3A_299 = arith.index_cast %parallel_loop3A_19 : i32 to index
            %parallel_loop3A_300 = arith.constant 368 : index
            %parallel_loop3A_301 = tpu.vector_load %arg4[%parallel_loop3A_299, %parallel_loop3A_300] {strides = array<i32>} : memref<48x577xf32, #tpu.memory_space<vmem>>, vector<16xf32>,
            tpu.vector_store %arg4[%parallel_loop3A_299, %parallel_loop3A_300], %parallel_loop3A_298 {strides = array<i32>} : memref<48x577xf32, #tpu.memory_space<vmem>>, vector<16xf32>,
            %parallel_loop3A_302 = arith.index_cast %parallel_loop3A_19 : i32 to index
            %parallel_loop3A_303 = arith.constant 384 : index
            %parallel_loop3A_304 = tpu.vector_load %arg4[%parallel_loop3A_302, %parallel_loop3A_303] {strides = array<i32>} : memref<48x577xf32, #tpu.memory_space<vmem>>, vector<16xf32>,
            %parallel_loop3A_305 = arith.constant 0.00173310225 : f32
            %parallel_loop3A_306 = vector.broadcast %parallel_loop3A_305 : f32 to vector<16xf32>
            %parallel_loop3A_307 = arith.mulf %parallel_loop3A_304, %parallel_loop3A_306 : vector<16xf32>
            %parallel_loop3A_308 = arith.index_cast %parallel_loop3A_19 : i32 to index
            %parallel_loop3A_309 = arith.constant 384 : index
            %parallel_loop3A_310 = tpu.vector_load %arg4[%parallel_loop3A_308, %parallel_loop3A_309] {strides = array<i32>} : memref<48x577xf32, #tpu.memory_space<vmem>>, vector<16xf32>,
            tpu.vector_store %arg4[%parallel_loop3A_308, %parallel_loop3A_309], %parallel_loop3A_307 {strides = array<i32>} : memref<48x577xf32, #tpu.memory_space<vmem>>, vector<16xf32>,
            %parallel_loop3A_311 = arith.index_cast %parallel_loop3A_19 : i32 to index
            %parallel_loop3A_312 = arith.constant 400 : index
            %parallel_loop3A_313 = tpu.vector_load %arg4[%parallel_loop3A_311, %parallel_loop3A_312] {strides = array<i32>} : memref<48x577xf32, #tpu.memory_space<vmem>>, vector<16xf32>,
            %parallel_loop3A_314 = arith.constant 0.00173310225 : f32
            %parallel_loop3A_315 = vector.broadcast %parallel_loop3A_314 : f32 to vector<16xf32>
            %parallel_loop3A_316 = arith.mulf %parallel_loop3A_313, %parallel_loop3A_315 : vector<16xf32>
            %parallel_loop3A_317 = arith.index_cast %parallel_loop3A_19 : i32 to index
            %parallel_loop3A_318 = arith.constant 400 : index
            %parallel_loop3A_319 = tpu.vector_load %arg4[%parallel_loop3A_317, %parallel_loop3A_318] {strides = array<i32>} : memref<48x577xf32, #tpu.memory_space<vmem>>, vector<16xf32>,
            tpu.vector_store %arg4[%parallel_loop3A_317, %parallel_loop3A_318], %parallel_loop3A_316 {strides = array<i32>} : memref<48x577xf32, #tpu.memory_space<vmem>>, vector<16xf32>,
            %parallel_loop3A_320 = arith.index_cast %parallel_loop3A_19 : i32 to index
            %parallel_loop3A_321 = arith.constant 416 : index
            %parallel_loop3A_322 = tpu.vector_load %arg4[%parallel_loop3A_320, %parallel_loop3A_321] {strides = array<i32>} : memref<48x577xf32, #tpu.memory_space<vmem>>, vector<16xf32>,
            %parallel_loop3A_323 = arith.constant 0.00173310225 : f32
            %parallel_loop3A_324 = vector.broadcast %parallel_loop3A_323 : f32 to vector<16xf32>
            %parallel_loop3A_325 = arith.mulf %parallel_loop3A_322, %parallel_loop3A_324 : vector<16xf32>
            %parallel_loop3A_326 = arith.index_cast %parallel_loop3A_19 : i32 to index
            %parallel_loop3A_327 = arith.constant 416 : index
            %parallel_loop3A_328 = tpu.vector_load %arg4[%parallel_loop3A_326, %parallel_loop3A_327] {strides = array<i32>} : memref<48x577xf32, #tpu.memory_space<vmem>>, vector<16xf32>,
            tpu.vector_store %arg4[%parallel_loop3A_326, %parallel_loop3A_327], %parallel_loop3A_325 {strides = array<i32>} : memref<48x577xf32, #tpu.memory_space<vmem>>, vector<16xf32>,
            %parallel_loop3A_329 = arith.index_cast %parallel_loop3A_19 : i32 to index
            %parallel_loop3A_330 = arith.constant 432 : index
            %parallel_loop3A_331 = tpu.vector_load %arg4[%parallel_loop3A_329, %parallel_loop3A_330] {strides = array<i32>} : memref<48x577xf32, #tpu.memory_space<vmem>>, vector<16xf32>,
            %parallel_loop3A_332 = arith.constant 0.00173310225 : f32
            %parallel_loop3A_333 = vector.broadcast %parallel_loop3A_332 : f32 to vector<16xf32>
            %parallel_loop3A_334 = arith.mulf %parallel_loop3A_331, %parallel_loop3A_333 : vector<16xf32>
            %parallel_loop3A_335 = arith.index_cast %parallel_loop3A_19 : i32 to index
            %parallel_loop3A_336 = arith.constant 432 : index
            %parallel_loop3A_337 = tpu.vector_load %arg4[%parallel_loop3A_335, %parallel_loop3A_336] {strides = array<i32>} : memref<48x577xf32, #tpu.memory_space<vmem>>, vector<16xf32>,
            tpu.vector_store %arg4[%parallel_loop3A_335, %parallel_loop3A_336], %parallel_loop3A_334 {strides = array<i32>} : memref<48x577xf32, #tpu.memory_space<vmem>>, vector<16xf32>,
            %parallel_loop3A_338 = arith.index_cast %parallel_loop3A_19 : i32 to index
            %parallel_loop3A_339 = arith.constant 448 : index
            %parallel_loop3A_340 = tpu.vector_load %arg4[%parallel_loop3A_338, %parallel_loop3A_339] {strides = array<i32>} : memref<48x577xf32, #tpu.memory_space<vmem>>, vector<16xf32>,
            %parallel_loop3A_341 = arith.constant 0.00173310225 : f32
            %parallel_loop3A_342 = vector.broadcast %parallel_loop3A_341 : f32 to vector<16xf32>
            %parallel_loop3A_343 = arith.mulf %parallel_loop3A_340, %parallel_loop3A_342 : vector<16xf32>
            %parallel_loop3A_344 = arith.index_cast %parallel_loop3A_19 : i32 to index
            %parallel_loop3A_345 = arith.constant 448 : index
            %parallel_loop3A_346 = tpu.vector_load %arg4[%parallel_loop3A_344, %parallel_loop3A_345] {strides = array<i32>} : memref<48x577xf32, #tpu.memory_space<vmem>>, vector<16xf32>,
            tpu.vector_store %arg4[%parallel_loop3A_344, %parallel_loop3A_345], %parallel_loop3A_343 {strides = array<i32>} : memref<48x577xf32, #tpu.memory_space<vmem>>, vector<16xf32>,
            %parallel_loop3A_347 = arith.index_cast %parallel_loop3A_19 : i32 to index
            %parallel_loop3A_348 = arith.constant 464 : index
            %parallel_loop3A_349 = tpu.vector_load %arg4[%parallel_loop3A_347, %parallel_loop3A_348] {strides = array<i32>} : memref<48x577xf32, #tpu.memory_space<vmem>>, vector<16xf32>,
            %parallel_loop3A_350 = arith.constant 0.00173310225 : f32
            %parallel_loop3A_351 = vector.broadcast %parallel_loop3A_350 : f32 to vector<16xf32>
            %parallel_loop3A_352 = arith.mulf %parallel_loop3A_349, %parallel_loop3A_351 : vector<16xf32>
            %parallel_loop3A_353 = arith.index_cast %parallel_loop3A_19 : i32 to index
            %parallel_loop3A_354 = arith.constant 464 : index
            %parallel_loop3A_355 = tpu.vector_load %arg4[%parallel_loop3A_353, %parallel_loop3A_354] {strides = array<i32>} : memref<48x577xf32, #tpu.memory_space<vmem>>, vector<16xf32>,
            tpu.vector_store %arg4[%parallel_loop3A_353, %parallel_loop3A_354], %parallel_loop3A_352 {strides = array<i32>} : memref<48x577xf32, #tpu.memory_space<vmem>>, vector<16xf32>,
            %parallel_loop3A_356 = arith.index_cast %parallel_loop3A_19 : i32 to index
            %parallel_loop3A_357 = arith.constant 480 : index
            %parallel_loop3A_358 = tpu.vector_load %arg4[%parallel_loop3A_356, %parallel_loop3A_357] {strides = array<i32>} : memref<48x577xf32, #tpu.memory_space<vmem>>, vector<16xf32>,
            %parallel_loop3A_359 = arith.constant 0.00173310225 : f32
            %parallel_loop3A_360 = vector.broadcast %parallel_loop3A_359 : f32 to vector<16xf32>
            %parallel_loop3A_361 = arith.mulf %parallel_loop3A_358, %parallel_loop3A_360 : vector<16xf32>
            %parallel_loop3A_362 = arith.index_cast %parallel_loop3A_19 : i32 to index
            %parallel_loop3A_363 = arith.constant 480 : index
            %parallel_loop3A_364 = tpu.vector_load %arg4[%parallel_loop3A_362, %parallel_loop3A_363] {strides = array<i32>} : memref<48x577xf32, #tpu.memory_space<vmem>>, vector<16xf32>,
            tpu.vector_store %arg4[%parallel_loop3A_362, %parallel_loop3A_363], %parallel_loop3A_361 {strides = array<i32>} : memref<48x577xf32, #tpu.memory_space<vmem>>, vector<16xf32>,
            %parallel_loop3A_365 = arith.index_cast %parallel_loop3A_19 : i32 to index
            %parallel_loop3A_366 = arith.constant 496 : index
            %parallel_loop3A_367 = tpu.vector_load %arg4[%parallel_loop3A_365, %parallel_loop3A_366] {strides = array<i32>} : memref<48x577xf32, #tpu.memory_space<vmem>>, vector<16xf32>,
            %parallel_loop3A_368 = arith.constant 0.00173310225 : f32
            %parallel_loop3A_369 = vector.broadcast %parallel_loop3A_368 : f32 to vector<16xf32>
            %parallel_loop3A_370 = arith.mulf %parallel_loop3A_367, %parallel_loop3A_369 : vector<16xf32>
            %parallel_loop3A_371 = arith.index_cast %parallel_loop3A_19 : i32 to index
            %parallel_loop3A_372 = arith.constant 496 : index
            %parallel_loop3A_373 = tpu.vector_load %arg4[%parallel_loop3A_371, %parallel_loop3A_372] {strides = array<i32>} : memref<48x577xf32, #tpu.memory_space<vmem>>, vector<16xf32>,
            tpu.vector_store %arg4[%parallel_loop3A_371, %parallel_loop3A_372], %parallel_loop3A_370 {strides = array<i32>} : memref<48x577xf32, #tpu.memory_space<vmem>>, vector<16xf32>,
            %parallel_loop3A_374 = arith.index_cast %parallel_loop3A_19 : i32 to index
            %parallel_loop3A_375 = arith.constant 512 : index
            %parallel_loop3A_376 = tpu.vector_load %arg4[%parallel_loop3A_374, %parallel_loop3A_375] {strides = array<i32>} : memref<48x577xf32, #tpu.memory_space<vmem>>, vector<16xf32>,
            %parallel_loop3A_377 = arith.constant 0.00173310225 : f32
            %parallel_loop3A_378 = vector.broadcast %parallel_loop3A_377 : f32 to vector<16xf32>
            %parallel_loop3A_379 = arith.mulf %parallel_loop3A_376, %parallel_loop3A_378 : vector<16xf32>
            %parallel_loop3A_380 = arith.index_cast %parallel_loop3A_19 : i32 to index
            %parallel_loop3A_381 = arith.constant 512 : index
            %parallel_loop3A_382 = tpu.vector_load %arg4[%parallel_loop3A_380, %parallel_loop3A_381] {strides = array<i32>} : memref<48x577xf32, #tpu.memory_space<vmem>>, vector<16xf32>,
            tpu.vector_store %arg4[%parallel_loop3A_380, %parallel_loop3A_381], %parallel_loop3A_379 {strides = array<i32>} : memref<48x577xf32, #tpu.memory_space<vmem>>, vector<16xf32>,
            %parallel_loop3A_383 = arith.index_cast %parallel_loop3A_19 : i32 to index
            %parallel_loop3A_384 = arith.constant 528 : index
            %parallel_loop3A_385 = tpu.vector_load %arg4[%parallel_loop3A_383, %parallel_loop3A_384] {strides = array<i32>} : memref<48x577xf32, #tpu.memory_space<vmem>>, vector<16xf32>,
            %parallel_loop3A_386 = arith.constant 0.00173310225 : f32
            %parallel_loop3A_387 = vector.broadcast %parallel_loop3A_386 : f32 to vector<16xf32>
            %parallel_loop3A_388 = arith.mulf %parallel_loop3A_385, %parallel_loop3A_387 : vector<16xf32>
            %parallel_loop3A_389 = arith.index_cast %parallel_loop3A_19 : i32 to index
            %parallel_loop3A_390 = arith.constant 528 : index
            %parallel_loop3A_391 = tpu.vector_load %arg4[%parallel_loop3A_389, %parallel_loop3A_390] {strides = array<i32>} : memref<48x577xf32, #tpu.memory_space<vmem>>, vector<16xf32>,
            tpu.vector_store %arg4[%parallel_loop3A_389, %parallel_loop3A_390], %parallel_loop3A_388 {strides = array<i32>} : memref<48x577xf32, #tpu.memory_space<vmem>>, vector<16xf32>,
            %parallel_loop3A_392 = arith.index_cast %parallel_loop3A_19 : i32 to index
            %parallel_loop3A_393 = arith.constant 544 : index
            %parallel_loop3A_394 = tpu.vector_load %arg4[%parallel_loop3A_392, %parallel_loop3A_393] {strides = array<i32>} : memref<48x577xf32, #tpu.memory_space<vmem>>, vector<16xf32>,
            %parallel_loop3A_395 = arith.constant 0.00173310225 : f32
            %parallel_loop3A_396 = vector.broadcast %parallel_loop3A_395 : f32 to vector<16xf32>
            %parallel_loop3A_397 = arith.mulf %parallel_loop3A_394, %parallel_loop3A_396 : vector<16xf32>
            %parallel_loop3A_398 = arith.index_cast %parallel_loop3A_19 : i32 to index
            %parallel_loop3A_399 = arith.constant 544 : index
            %parallel_loop3A_400 = tpu.vector_load %arg4[%parallel_loop3A_398, %parallel_loop3A_399] {strides = array<i32>} : memref<48x577xf32, #tpu.memory_space<vmem>>, vector<16xf32>,
            tpu.vector_store %arg4[%parallel_loop3A_398, %parallel_loop3A_399], %parallel_loop3A_397 {strides = array<i32>} : memref<48x577xf32, #tpu.memory_space<vmem>>, vector<16xf32>,
            %parallel_loop3A_401 = arith.index_cast %parallel_loop3A_19 : i32 to index
            %parallel_loop3A_402 = arith.constant 560 : index
            %parallel_loop3A_403 = tpu.vector_load %arg4[%parallel_loop3A_401, %parallel_loop3A_402] {strides = array<i32>} : memref<48x577xf32, #tpu.memory_space<vmem>>, vector<16xf32>,
            %parallel_loop3A_404 = arith.constant 0.00173310225 : f32
            %parallel_loop3A_405 = vector.broadcast %parallel_loop3A_404 : f32 to vector<16xf32>
            %parallel_loop3A_406 = arith.mulf %parallel_loop3A_403, %parallel_loop3A_405 : vector<16xf32>
            %parallel_loop3A_407 = arith.index_cast %parallel_loop3A_19 : i32 to index
            %parallel_loop3A_408 = arith.constant 560 : index
            %parallel_loop3A_409 = tpu.vector_load %arg4[%parallel_loop3A_407, %parallel_loop3A_408] {strides = array<i32>} : memref<48x577xf32, #tpu.memory_space<vmem>>, vector<16xf32>,
            tpu.vector_store %arg4[%parallel_loop3A_407, %parallel_loop3A_408], %parallel_loop3A_406 {strides = array<i32>} : memref<48x577xf32, #tpu.memory_space<vmem>>, vector<16xf32>,
            %parallel_loop3A_410 = vector.broadcast %parallel_loop3A_19 : i32 to vector<16xi32>
            %parallel_loop3A_411 = arith.constant 576 : i32
            %parallel_loop3A_412 = vector.broadcast %parallel_loop3A_411 : i32 to vector<16xi32>
            %parallel_loop3A_413 = tpu.vector_load_idx %arg4[%parallel_loop3A_410, %parallel_loop3A_412] : memref<48x577xf32, #tpu.memory_space<vmem>>[vector<16xi32>, vector<16xi32>], vector<16xf32>,
            %parallel_loop3A_414 = arith.constant 0.00173310225 : f32
            %parallel_loop3A_415 = vector.broadcast %parallel_loop3A_414 : f32 to vector<16xf32>
            %parallel_loop3A_416 = arith.mulf %parallel_loop3A_413, %parallel_loop3A_415 : vector<16xf32>
            tpu.vector_store_idx %arg4[%parallel_loop3A_410, %parallel_loop3A_412], %parallel_loop3A_416 masked %lt3A_2 : memref<48x577xf32, #tpu.memory_space<vmem>>[vector<16xi32>, vector<16xi32>], vector<16xf32>, vector<16xi1>
          } else {
          }
        } {sc.loop_unroll_factor = 1 : i64, sc.parallel_access}
        "tpu.region"() ({
          %run_scoped3A = tpu.sem_alloc : memref<!tpu.dma_semaphore, #tpu.memory_space<semaphore_mem>>
          %dma_start3A = arith.constant 0 : i32
          %dma_start3A_19 = tpu.memref_slice %arg3[%mul3A_16, %dma_start3A] : memref<55392x577xf32, #tpu.memory_space<hbm>> -> memref<48x577xf32, #tpu.memory_space<hbm>>
          %dma_start3A_20 = arith.constant 0 : i32
          %dma_start3A_21 = tpu.memref_slice %arg3[%mul3A_16, %dma_start3A_20] : memref<55392x577xf32, #tpu.memory_space<hbm>> -> memref<48x577xf32, #tpu.memory_space<hbm>>
          tpu.enqueue_dma source(%arg4 : memref<48x577xf32, #tpu.memory_space<vmem>>) target(%dma_start3A_21 : memref<48x577xf32, #tpu.memory_space<hbm>>) target_semaphore(%run_scoped3A : memref<!tpu.dma_semaphore, #tpu.memory_space<semaphore_mem>>)
          %dma_wait3A = arith.constant 0 : i32
          %dma_wait3A_22 = tpu.memref_slice %arg3[%mul3A_16, %dma_wait3A] : memref<55392x577xf32, #tpu.memory_space<hbm>> -> memref<48x577xf32, #tpu.memory_space<hbm>>
          %dma_wait3A_23 = arith.constant 0 : i32
          %dma_wait3A_24 = tpu.memref_slice %arg3[%mul3A_16, %dma_wait3A_23] : memref<55392x577xf32, #tpu.memory_space<hbm>> -> memref<48x577xf32, #tpu.memory_space<hbm>>
          tpu.wait_dma2 semaphore(%run_scoped3A : memref<!tpu.dma_semaphore, #tpu.memory_space<semaphore_mem>>) src(%arg4 : memref<48x577xf32, #tpu.memory_space<vmem>>) dst(%dma_wait3A_24 : memref<48x577xf32, #tpu.memory_space<hbm>>)
          tpu.yield
        }) : () -> ()
      } else {
      }
    }
    %scan3A_7 = arith.constant 37 : i32
    return
  }
}

</mosaic_0001>

<sc_bundles>
// kernel: kernel.3.cloned.1.call-start
scs
__scs_entry_jumppad:
0x0: {  	(pc) =	sbr.rel $0x88, $3  }
0x1: {  	(tag) =	ssettag $0x0;
	lr =	simm.s32 $0x1  }
0x2: {  	[smem:$0x3FA0] =	sst lr;
	_ =	strace $0xD0000000  }
0x3: {  	_ = 	snop  }
0x4: {  	_ = 	snop  }
0x5: {  	_ = 	snop  }
0x6: {  	_ = 	snop  }
0x7: {  	_ = 	snop  }
__scs_overlays_trampoline_lowered:
0x8: {  	[smem:$0x3FAF] =	sst s0  }
0x9: {  	[smem:$0x3FB0] =	sst s1  }
0xa: {  	[smem:$0x3FB1] =	sst s2  }
0xb: {  	[smem:$0x3FB2] =	sst s3  }
0xc: {  	[smem:$0x3FB3] =	sst s4  }
0xd: {  	[smem:$0x3FB4] =	sst s5  }
0xe: {  	[smem:$0x3FB5] =	sst s6  }
0xf: {  	[smem:$0x3FB6] =	sst s7  }
0x10: {  	[smem:$0x3FB7] =	sst s8  }
0x11: {  	[smem:$0x3FB8] =	sst s9;
	s0 =	simm.s32 @!p0 $0x0  }
0x12: {  	s1 =	sld [smem:$0x3F9E];
	s0 =	simm.s32 @p0 $0x1  }
0x13: {  	[smem:$0x3FB9] =	sst s0;
	s0 =	simm.s32 @!p1 $0x0  }
0x14: {  	s2 =	sld [smem:$0x3F9D];
	s0 =	simm.s32 @p1 $0x1  }
0x15: {  	[smem:$0x3FBA] =	sst s0;
	s0 =	simm.s32 @!p2 $0x0  }
0x16: {  	s3 =	sld [smem:$0x3FDB];
	s0 =	simm.s32 @p2 $0x1  }
0x17: {  	s4 =	simm.s32 $0x1BF5;
	[smem:$0x3FBC] =	sst s0  }
0x18: {  	s0 =	sld [smem:$0x3F9F];
	_ =	swait.ge [sflag:s4], $0x0  }
0x19: {  	s7 =	sld [smem:$0x3FA0]  }
0x1a: {  	s8 =	sadd.s32 $0xFFFFE003, lr  }
0x1b: {  	s9 =	sadd.s32 $0xFFFFFEF7, lr;
	s5 =	simm.s32 $0xFFFFFFFF;
	p2 =	slt.u32 s8, $0xFFFFF086  }
0x1c: {  	p1 =	slt.u32 s9, $0xF7A;
	s5 =	simm.s32 @!p2 $0x0  }
0x1d: {  	s5 =	simm.s32 @p1 $0x1;
	p0 =	seq.s32 s7, s2  }
0x1e: {  	s7 =	smul.u32 @!p0 $0xF7A, s2;
	p2 =	seq.s32 @!p0 s5, $0x0  }
0x1f: {  	s9 =	smul.u32 $0xF7A, s1;
	s8 =	simm.s32 @!p0 $0x1BF5;
	p2 =	por !p2, p0  }
0x20: {  	[sflag:s8] =	ssyncset.s32 @!p0 $0xFFFFF086;
	s6 =	sadd.s32 @!p0 s3, s7;
	s7 =	simm.s32 @!p0 $0x108  }
0x21: {  	s3 =	sadd.s32 s3, s9;
	s6 =	sadd.s32 @!p0 $0x88, s6;
	s7 =	simm.s32 @p2 $0x1082  }
0x22: {  	[simem:s7], [sflag:s8] =	dma.local @!p0 [hbm:s6], $0xF7A  }
0x23: {  	s9 =	sor.u32 $0xD0000000, s2;
	s6 =	simm.s32 $0x108;
	_ =	swait.ge @!p0 [sflag:s8], $0x0  }
0x24: {  	s3 =	sadd.s32 $0x88, s3;
	s6 =	simm.s32 @!p1 $0x1082;
	[sflag:s4] =	ssyncset.s32 $0xFFFFF086  }
0x25: {  	[simem:s6], [sflag:s4] =	dma.local [hbm:s3], $0xF7A  }
0x26: {  	[smem:$0x3FA0] =	sst s1;
	(tag) =	ssettag s2;
	_ =	strace s9  }
0x27: {  	s1 =	sld [smem:$0x3FB0]  }
0x28: {  	s2 =	sld [smem:$0x3FB1]  }
0x29: {  	s4 =	sld [smem:$0x3FB3]  }
0x2a: {  	p0 =	seq.s32 s5, $0x0;
	s5 =	sld [smem:$0x3FB4]  }
0x2b: {  	s6 =	sld [smem:$0x3FB5]  }
0x2c: {  	s7 =	sld [smem:$0x3FB6]  }
0x2d: {  	s3 =	simm.s32 $0x108;
	s8 =	sld [smem:$0x3FB7]  }
0x2e: {  	s3 =	simm.s32 @!p0 $0x1082;
	s9 =	sld [smem:$0x3FB8]  }
0x2f: {  	lr =	sadd.s32 s0, s3;
	s0 =	sld [smem:$0x3FAF]  }
0x30: {  	s3 =	sld [smem:$0x3FB2]  }
0x31: {  	[smem:$0x3FBB] =	sst s10  }
0x32: {  	s10 =	sld [smem:$0x3FB9];
	_ =	sdelay $0x3  }
0x33: {  	p0 =	seq.s32 s10, $0x1;
	s10 =	sld [smem:$0x3FBB];
	_ =	sdelay $0x3  }
0x34: {  	[smem:$0x3FBB] =	sst s10  }
0x35: {  	s10 =	sld [smem:$0x3FBA];
	_ =	sdelay $0x3  }
0x36: {  	p1 =	seq.s32 s10, $0x1;
	s10 =	sld [smem:$0x3FBB];
	_ =	sdelay $0x3  }
0x37: {  	[smem:$0x3FBB] =	sst s10  }
0x38: {  	s10 =	sld [smem:$0x3FBC]  }
0x39: {  	_ = 	snop;
	(pc) =	sbr.ind lr, $3  }
0x3a: {  	_ = 	snop  }
0x3b: {  	_ = 	snop  }
0x3c: {  	p2 =	seq.s32 s10, $0x1;
	s10 =	sld [smem:$0x3FBB]  }
0x3d: {  	_ =	shalt  }
0x3e: {  	_ =	shalt  }
0x3f: {  	_ =	shalt  }
0x40: {  	_ =	shalt  }
0x41: {  	_ =	shalt  }
0x42: {  	_ =	shalt  }
0x43: {  	_ =	shalt  }
0x44: {  	_ =	shalt  }
0x45: {  	_ =	shalt  }
0x46: {  	_ =	shalt  }
0x47: {  	_ =	shalt  }
0x48: {  	_ =	shalt  }
0x49: {  	_ =	shalt  }
0x4a: {  	_ =	shalt  }
0x4b: {  	_ =	shalt  }
0x4c: {  	_ =	shalt  }
0x4d: {  	_ =	shalt  }
0x4e: {  	_ =	shalt  }
0x4f: {  	_ =	shalt  }
0x50: {  	_ =	shalt  }
0x51: {  	_ =	shalt  }
0x52: {  	_ =	shalt  }
0x53: {  	_ =	shalt  }
0x54: {  	_ =	shalt  }
0x55: {  	_ =	shalt  }
0x56: {  	_ =	shalt  }
0x57: {  	_ =	shalt  }
0x58: {  	_ =	shalt  }
0x59: {  	_ =	shalt  }
0x5a: {  	_ =	shalt  }
0x5b: {  	_ =	shalt  }
0x5c: {  	_ =	shalt  }
0x5d: {  	_ =	shalt  }
0x5e: {  	_ =	shalt  }
0x5f: {  	_ =	shalt  }
0x60: {  	_ =	shalt  }
0x61: {  	_ =	shalt  }
0x62: {  	_ =	shalt  }
0x63: {  	_ =	shalt  }
0x64: {  	_ =	shalt  }
0x65: {  	_ =	shalt  }
0x66: {  	_ =	shalt  }
0x67: {  	_ =	shalt  }
0x68: {  	_ =	shalt  }
0x69: {  	_ =	shalt  }
0x6a: {  	_ =	shalt  }
0x6b: {  	_ =	shalt  }
0x6c: {  	_ =	shalt  }
0x6d: {  	_ =	shalt  }
0x6e: {  	_ =	shalt  }
0x6f: {  	_ =	shalt  }
0x70: {  	_ =	shalt  }
0x71: {  	_ =	shalt  }
0x72: {  	_ =	shalt  }
0x73: {  	_ =	shalt  }
0x74: {  	_ =	shalt  }
0x75: {  	_ =	shalt  }
0x76: {  	_ =	shalt  }
0x77: {  	_ =	shalt  }
0x78: {  	_ =	shalt  }
0x79: {  	_ =	shalt  }
0x7a: {  	_ =	shalt  }
0x7b: {  	_ =	shalt  }
0x7c: {  	_ =	shalt  }
0x7d: {  	_ =	shalt  }
0x7e: {  	_ =	shalt  }
0x7f: {  	_ =	shalt  }
0x80: {  	_ =	shalt  }
0x81: {  	_ =	shalt  }
0x82: {  	_ =	shalt  }
0x83: {  	_ =	shalt  }
0x84: {  	_ =	shalt  }
0x85: {  	_ =	shalt  }
0x86: {  	_ =	shalt  }
0x87: {  	_ =	shalt  }
.Lfunc_end0:
.L_simem_size_0:
called_computation.1_lowered:
.L_overlay_start_0:
0x88: {  	s2 =	sld [smem:$0x3FD9]  }
0x89: {  	s3 =	sld [smem:$0x3FFE];
	_ =	sdelay $0x1  }
0x8a: {  	s1 =	srdreg.scid  }
0x8b: {  	s0 =	sand.u32 $0x1, s1  }
0x8c: {  	s17 =	sshll.u32 s0, $0xA;
	s2 =	sadd.s32 s3, s2  }
0x8d: {  	s2 =	sadd.s32 s2, s17  }
0x8e: {  	[smem:$0x3FC7] =	sst s2  }
0x8f: {  	_ = 	snop  }
0x90: {  	s2 =	sld [smem:$0x3FD0];
	(tm) =	ssettm $0x1  }
0x91: {  	s18 =	sld [smem:$0x3FFB];
	_ =	sdelay $0x3  }
0x92: {  	_ =	strace s18  }
0x93: {  	s3 =	sld [smem:$0x3FFC];
	_ =	sdelay $0x3  }
0x94: {  	_ =	strace s3  }
0x95: {  	s3 =	sld [smem:$0x3FFD];
	_ =	sdelay $0x3  }
0x96: {  	_ =	strace s3  }
0x97: {  	_ =	strace $0x8FFFFFFF  }
0x98: {  	s19 =	sld [smem:$0x3FDB];
	_ =	sdelay $0x1  }
0x99: {  	s4 =	simm.s32 $_scs_section_size  }
0x9a: {  	s5 =	simm.s32 $_size__tile_overlayer_lowered;
	s6 =	simm.s32 $_tile_overlayer_lowered  }
0x9b: {  	s22 =	simm.s32 $0x1BFF;
	s21 =	sshll.u32 s6, $0x1;
	s3 =	sadd.s32 s4, s19  }
0x9c: {  	s7 =	simm.s32 $0x0;
	s20 =	sshll.u32 s5, $0x1;
	s5 =	sadd.s32 s21, s3  }
0x9d: {  	[timem:s7], [sflag:s22] =	dma.local [hbm:s5], s20  }
0x9e: {  	_ =	swait.ge [sflag:s22], s20  }
0x9f: {  	s4 =	ssub.s32 $0x0, s20;
	[sflag:s22] =	ssyncset.done $0x0  }
0xa0: {  	[sflag:s22] =	ssyncadd.s32 s4;
	_ =	sdelay $0x1  }
0xa1: {  	s23 =	simm.s32 $0x1B8B  }
0xa2: {  	_ =	swait.ge [sflag:s23], $0x1  }
0xa3: {  	[sflag:s23] =	ssyncset.done $0x0  }
0xa4: {  	s25 =	simm.s32 $0x1B8E;
	s24 =	sld [smem:$0x3FFE];
	[sflag:s23] =	ssyncadd.s32 $0xFFFFFFFF  }
0xa5: {  	s26 =	simm.s32 $execute0_lowered;
	[smem:$0x3FD2] =	sst s25  }
0xa6: {  	s5 =	sshll.u32 s26, $0x1;
	_ =	strace $0x80000046;
	[dreg:$0x1] =	wrdreg $0xFFFFFFFF  }
0xa7: {  	s28 =	simm.s32 $_size_execute0_lowered;
	s3 =	sadd.s32 s3, s5;
	[dreg:$0x0] =	wrdreg $0x0  }
0xa8: {  	s5 =	sshll.u32 s28, $0x1;
	[dreg:$0x2] =	wrdreg s3  }
0xa9: {  	[dreg:$0x3] =	wrdreg s5  }
0xaa: {  	[dreg:$0x4] =	wrdreg $0xC0  }
0xab: {  	_ =	task [dreg:s7], $0x5FFFF  }
0xac: {  	[dreg:$0x1] =	wrdreg $0xFFFFFFFF  }
0xad: {  	[dreg:$0x0] =	wrdreg $0x60  }
0xae: {  	[dreg:$0x2] =	wrdreg s2  }
0xaf: {  	[dreg:$0x3] =	wrdreg s24  }
0xb0: {  	[dreg:$0x4] =	wrdreg $0x9  }
0xb1: {  	_ =	task.clear_ibuf [dreg:s7], $0x5FFFF;
	_ =	strace $0x90000046  }
0xb2: {  	s29 =	simm.s32 $0x9;
	_ =	strace $0x80000048  }
0xb3: {  	_ =	swait.ge [sflag:s29], $0x1  }
0xb4: {  	[sflag:s29] =	ssyncadd.s32 $0xFFFFFFFF  }
0xb5: {  	_ =	strace $0x90000048  }
0xb6: {  	_ =	sfence  }
0xb7: {  	s30 =	sld [smem:$0x0];
	_ =	sdelay $0x2  }
0xb8: {  	s31 =	sshll.u32 s1, $0xD;
	s1 =	sshrl.u32 s1, $0x2  }
0xb9: {  	s3 =	sand.u32 $0x4000, s31;
	s1 =	sadd.s32 s1, s30  }
0xba: {  	s0 =	sor.u32 s3, s0;
	s1 =	sshll.u32 s1, $0x11  }
0xbb: {  	s0 =	sor.u32 s1, s0  }
0xbc: {  	s0 =	sadd.s32 $0x8F2B, s0  }
0xbd: {  	[sflag:s0] =	ssyncadd.remote.s32 $0x1  }
0xbe: {  	_ =	sfence.sel $0xFFFF  }
0xbf: {  	[dreg:$0x0] =	wrdreg $0xFFFFFFFF;
	(pc) =	sbr.abs _section_cstart, $3  }
0xc0: {  	[dreg:$0x1] =	wrdreg $0xFFFFFFFF  }
0xc1: {  	_ =	task.clear_ibuf [dreg:s7], $0x2FFFF;
	_ =	strace $0x9FFFFFFF  }
0xc2: {  	(tm) =	ssettm $0x7FFFFFFF  }
0xc3: {  	_ =	shalt  }
tec
execute0_lowered:
.L_overlay_start_1:
0x0: {  	(tag) =	ssettag $0x1  }
0x1: {  	s1 =	srdreg.scid;
	s0 =	stileid.u32  }
0x2: {  	s4 =	sand.u32 $0x1, s1;
	s30 =	smul.u32 $0x60, s0  }
0x3: {  	s6 =	rddreg [dreg:$0x0];
	s2 =	smul.u32 $0x30, s4  }
0x4: {  	s5 =	rddreg [dreg:$0x1];
	s3 =	simm.s32 $0x0  }
0x5: {  	s10 =	simm.s32 $0x0;
	s1 =	rddreg [dreg:$0x2];
	s2 =	sadd.s32 s2, s30  }
.Ltmp0:
0x6: {  	s4 =	ssub.s32 $0x2, s4;
	s7 =	sshrl.u32 s2, $0x3;
	(pc) =	sbr.rel .LBB2_1-.Ltmp0, $4  }
0x7: {  	[smem:$0x7FF] =	sst s3;
	s8 =	sshrl.u32 s4, $0x1;
	s7 =	smul.u32 $0x280, s7  }
0x8: {  	_ =	strace $0x80000047;
	s31 =	ssub.s32 s4, s8;
	s4 =	sshll.u32 s0, $0x1  }
0x9: {  	s8 =	simm.s32 $0x2;
	s9 =	sadd.s32 s7, s5;
	s5 =	smax.u32 s31, $0x1  }
0xa: {  	v0 =	vimm.s32 $0x1040;
	vm0 =	vmmov $0x1;
	s6 =	sadd.s32 s7, s6;
	s7 =	sadd.s32 $0x800, s9;
	s9 =	simm.s32 $0x1  }
.LBB2_9:
0xb: {  	s10 =	sadd.s32 $0x1, s10  }
0xc: {  	p0 =	sne.s32 s10, s5  }
.Ltmp1:
0xd: {  	_ = 	snop;
	(pc) =	sbr.rel @!p0 .LBB2_10-.Ltmp1, $1  }
0xe: {  	_ =	sdelay $0x3  }
.LBB2_1:
.Ltmp2:
0xf: {  	(pc) =	sbr.rel .LBB2_2-.Ltmp2, $2  }
0x10: {  	_ =	sdelay $0x2  }
0x11: {  	s11 =	smov.u32 s4;
	s12 =	smov.u32 s2;
	s13 =	simm.s32 $0x0  }
.LBB2_7:
0x12: {  	s14 =	sadd.s32 s13, s7  }
0x13: {  	[hbm4b:s14+s3] =	stream.linear.scatter [tilespmem:s3], [sflag:$0x1], $0x7800, $0x38;
	[tilespmem:$0x7800] =	vst v63  }
0x14: {  	_ =	swait.ge [sflag:s9], $0x7800  }
0x15: {  	[sflag:s9] =	ssyncset.done $0x0  }
0x16: {  	[sflag:s9] =	ssyncadd.s32 $0xFFFF8800  }
.LBB2_8:
0x17: {  	s13 =	sadd.s32 $0x1E000, s13  }
0x18: {  	p0 =	sne.s32 s13, $0x456000  }
.Ltmp3:
0x19: {  	_ = 	snop;
	(pc) =	sbr.rel @!p0 .LBB2_9-.Ltmp3, $2  }
0x1a: {  	_ =	sdelay $0x2  }
0x1b: {  	s12 =	sadd.s32 $0x600, s12;
	s11 =	sadd.s32 $0x20, s11  }
.LBB2_2:
0x1c: {  	p0 =	sgt.u32 s11, $0x481  }
.Ltmp4:
0x1d: {  	_ = 	snop;
	(pc) =	sbr.rel @p0 .LBB2_8-.Ltmp4, $1  }
0x1e: {  	_ =	sdelay $0x3  }
0x1f: {  	s14 =	smulhi.u32 $0xE32942FF, s12;
	_ =	sdelay $0x1  }
0x20: {  	s14 =	sshrl.u32 s14, $0x9  }
0x21: {  	s15 =	smulhi.u32 $0x15555556, s14;
	_ =	sdelay $0x1  }
0x22: {  	s15 =	smul.u32 $0xC, s15;
	_ =	sdelay $0x1  }
0x23: {  	s14 =	ssub.s32 s14, s15  }
0x24: {  	p0 =	sgt.u32 s14, $0x8  }
0x25: {  	s15 =	simm.s32 @!p0 $0x1  }
0x26: {  	s15 =	sshll.u32 @!p0 s15, s14  }
0x27: {  	s15 =	sand.u32 @!p0 $0x1AC, s15  }
0x28: {  	p1 =	sne.s32 @!p0 s15, $0x0  }
0x29: {  	p0 =	por p0, !p1  }
.Ltmp5:
0x2a: {  	s16 =	sadd.s32 s13, s6;
	(pc) =	sbr.rel @p0 .LBB2_5-.Ltmp5, $4  }
0x2b: {  	[tilespmem:s3], [sflag:$0x2] =	stream.linear.gather [hbm4b:s16+s3], $0x7800, $0x38;
	[tilespmem:$0x7800] =	vst v63  }
0x2c: {  	_ =	swait.ge [sflag:s8], $0x7800  }
0x2d: {  	[sflag:s8] =	ssyncset.done $0x0  }
0x2e: {  	[sflag:s8] =	ssyncadd.s32 $0xFFFF8800  }
0x2f: {  	v1 =	vld [tilespmem:$0x0];
	_ =	sdelay $0x1  }
0x30: {  	v2 =	vld [tilespmem:$0x10];
	_ =	sdelay $0x1  }
0x31: {  	v3 =	vld [tilespmem:$0x20]  }
0x32: {  	v1 =	vmax.f32 v1, $0.0e+00  }
0x33: {  	v5 =	vld [tilespmem:$0x30];
	v4 =	vadd.f32 $0.0e+00, v1  }
0x34: {  	v2 =	vmax.f32 v2, $0.0e+00  }
0x35: {  	v6 =	vld [tilespmem:$0x40];
	v4 =	vadd.f32 v2, v4  }
0x36: {  	v3 =	vmax.f32 v3, $0.0e+00  }
0x37: {  	v7 =	vld [tilespmem:$0x50];
	v4 =	vadd.f32 v3, v4  }
0x38: {  	v5 =	vmax.f32 v5, $0.0e+00  }
0x39: {  	v8 =	vld [tilespmem:$0x60];
	v4 =	vadd.f32 v5, v4  }
0x3a: {  	v6 =	vmax.f32 v6, $0.0e+00  }
0x3b: {  	v9 =	vld [tilespmem:$0x70];
	v4 =	vadd.f32 v6, v4  }
0x3c: {  	v7 =	vmax.f32 v7, $0.0e+00  }
0x3d: {  	v10 =	vld [tilespmem:$0x400];
	v4 =	vadd.f32 v7, v4  }
0x3e: {  	v8 =	vmax.f32 v8, $0.0e+00  }
0x3f: {  	v11 =	vld [tilespmem:$0x410];
	v4 =	vadd.f32 v8, v4  }
0x40: {  	v9 =	vmax.f32 v9, $0.0e+00  }
0x41: {  	v12 =	vld [tilespmem:$0x420];
	v4 =	vadd.f32 v9, v4  }
0x42: {  	v10 =	vmax.f32 v10, $0.0e+00  }
0x43: {  	v13 =	vld [tilespmem:$0x430];
	v4 =	vadd.f32 v10, v4  }
0x44: {  	v11 =	vmax.f32 v11, $0.0e+00  }
0x45: {  	v14 =	vld [tilespmem:$0x440];
	v4 =	vadd.f32 v11, v4  }
0x46: {  	v12 =	vmax.f32 v12, $0.0e+00  }
0x47: {  	v15 =	vld [tilespmem:$0x450];
	v4 =	vadd.f32 v12, v4  }
0x48: {  	v13 =	vmax.f32 v13, $0.0e+00  }
0x49: {  	v16 =	vld [tilespmem:$0x460];
	v4 =	vadd.f32 v13, v4  }
0x4a: {  	v14 =	vmax.f32 v14, $0.0e+00  }
0x4b: {  	v17 =	vld [tilespmem:$0x470];
	v4 =	vadd.f32 v14, v4  }
0x4c: {  	v15 =	vmax.f32 v15, $0.0e+00  }
0x4d: {  	v18 =	vld [tilespmem:$0x800];
	v4 =	vadd.f32 v15, v4  }
0x4e: {  	v16 =	vmax.f32 v16, $0.0e+00  }
0x4f: {  	v19 =	vld [tilespmem:$0x810];
	v4 =	vadd.f32 v16, v4  }
0x50: {  	v17 =	vmax.f32 v17, $0.0e+00  }
0x51: {  	v20 =	vld [tilespmem:$0x820];
	v4 =	vadd.f32 v17, v4  }
0x52: {  	v18 =	vmax.f32 v18, $0.0e+00  }
0x53: {  	v21 =	vld [tilespmem:$0x830];
	v4 =	vadd.f32 v18, v4  }
0x54: {  	v19 =	vmax.f32 v19, $0.0e+00  }
0x55: {  	v22 =	vld [tilespmem:$0x840];
	v4 =	vadd.f32 v19, v4  }
0x56: {  	v20 =	vmax.f32 v20, $0.0e+00  }
0x57: {  	v23 =	vld [tilespmem:$0x850];
	v4 =	vadd.f32 v20, v4  }
0x58: {  	v21 =	vmax.f32 v21, $0.0e+00  }
0x59: {  	v24 =	vld [tilespmem:$0x860];
	v4 =	vadd.f32 v21, v4  }
0x5a: {  	v22 =	vmax.f32 v22, $0.0e+00  }
0x5b: {  	v25 =	vld [tilespmem:$0x870];
	v4 =	vadd.f32 v22, v4  }
0x5c: {  	v23 =	vmax.f32 v23, $0.0e+00  }
0x5d: {  	v26 =	vld [tilespmem:$0xC00];
	v4 =	vadd.f32 v23, v4  }
0x5e: {  	v24 =	vmax.f32 v24, $0.0e+00  }
0x5f: {  	v27 =	vld [tilespmem:$0xC10];
	v4 =	vadd.f32 v24, v4  }
0x60: {  	v25 =	vmax.f32 v25, $0.0e+00  }
0x61: {  	v28 =	vld [tilespmem:$0xC20];
	v4 =	vadd.f32 v25, v4  }
0x62: {  	v26 =	vmax.f32 v26, $0.0e+00  }
0x63: {  	v29 =	vld [tilespmem:$0xC30];
	v4 =	vadd.f32 v26, v4  }
0x64: {  	v27 =	vmax.f32 v27, $0.0e+00  }
0x65: {  	v30 =	vld [tilespmem:$0xC40];
	v4 =	vadd.f32 v27, v4  }
0x66: {  	v28 =	vmax.f32 v28, $0.0e+00  }
0x67: {  	v31 =	vld [tilespmem:$0xC50];
	v4 =	vadd.f32 v28, v4  }
0x68: {  	v29 =	vmax.f32 v29, $0.0e+00  }
0x69: {  	v32 =	vld [tilespmem:$0xC60];
	v4 =	vadd.f32 v29, v4  }
0x6a: {  	v30 =	vmax.f32 v30, $0.0e+00  }
0x6b: {  	v33 =	vld [tilespmem:$0xC70];
	v4 =	vadd.f32 v30, v4  }
0x6c: {  	v31 =	vmax.f32 v31, $0.0e+00  }
0x6d: {  	v34 =	vld [tilespmem:$0x1000];
	v4 =	vadd.f32 v31, v4  }
0x6e: {  	v32 =	vmax.f32 v32, $0.0e+00  }
0x6f: {  	v35 =	vld [tilespmem:$0x1010];
	v4 =	vadd.f32 v32, v4  }
0x70: {  	v33 =	vmax.f32 v33, $0.0e+00  }
0x71: {  	v36 =	vld [tilespmem:$0x1020];
	v4 =	vadd.f32 v33, v4  }
0x72: {  	v34 =	vmax.f32 v34, $0.0e+00  }
0x73: {  	v37 =	vld [tilespmem:$0x1030];
	v4 =	vadd.f32 v34, v4  }
0x74: {  	v38 =	vld.idx.msk [tilespmem:v0+s3+$0x0], $0xffff;
	v35 =	vmax.f32 v35, $0.0e+00  }
0x75: {  	v4 =	vadd.f32 v35, v4  }
0x76: {  	v36 =	vmax.f32 v36, $0.0e+00  }
0x77: {  	v4 =	vadd.f32 v36, v4  }
0x78: {  	v37 =	vmax.f32 v37, $0.0e+00  }
0x79: {  	v38 =	vmax.f32 v38, $0.0e+00;
	v4 =	vadd.f32 v37, v4  }
0x7a: {  	v39 =	vnsel vm0, $0x0, v38  }
0x7b: {  	v4 =	vadd.f32 v39, v4;
	_ =	sdelay $0x1  }
0x7c: {  	(xrf2) =	vadd.scan.msk.f32 $0xffff, v4;
	_ =	sdelay $0x9  }
0x7d: {  	v4, _, _ =	vpop (xrf2)  }
0x7e: {  	(v2sf) =	vpush v4, $0xF;
	_ =	sdelay $0xe  }
0x7f: {  	s15 =	spop (v2sf)  }
0x80: {  	s15 =	sadd.f32 $9.999999740e-06, s15;
	_ =	sdelay $0x1  }
0x81: {  	v63 =	vmov s15  }
0x82: {  	(erf) = vrcp.f32 v63;
	_ =	sdelay $0x8  }
0x83: {  	v4 =	vpop (erf)  }
0x84: {  	v1 =	vmul.f32 v4, v1  }
0x85: {  	v2 =	vmul.f32 v4, v2  }
0x86: {  	[tilespmem:$0x0] =	vst v1;
	v1 =	vmul.f32 v4, v3  }
0x87: {  	[tilespmem:$0x10] =	vst v2;
	v2 =	vmul.f32 v4, v5  }
0x88: {  	[tilespmem:$0x20] =	vst v1;
	v1 =	vmul.f32 v4, v6  }
0x89: {  	[tilespmem:$0x30] =	vst v2;
	v2 =	vmul.f32 v4, v7  }
0x8a: {  	[tilespmem:$0x40] =	vst v1;
	v1 =	vmul.f32 v4, v8  }
0x8b: {  	[tilespmem:$0x50] =	vst v2;
	v2 =	vmul.f32 v4, v9  }
0x8c: {  	[tilespmem:$0x60] =	vst v1;
	v1 =	vmul.f32 v4, v10  }
0x8d: {  	[tilespmem:$0x70] =	vst v2;
	v2 =	vmul.f32 v4, v11  }
0x8e: {  	[tilespmem:$0x400] =	vst v1;
	v1 =	vmul.f32 v4, v12  }
0x8f: {  	[tilespmem:$0x410] =	vst v2;
	v2 =	vmul.f32 v4, v13  }
0x90: {  	[tilespmem:$0x420] =	vst v1;
	v1 =	vmul.f32 v4, v14  }
0x91: {  	[tilespmem:$0x430] =	vst v2;
	v2 =	vmul.f32 v4, v15  }
0x92: {  	[tilespmem:$0x440] =	vst v1;
	v1 =	vmul.f32 v4, v16  }
0x93: {  	[tilespmem:$0x450] =	vst v2;
	v2 =	vmul.f32 v4, v17  }
0x94: {  	[tilespmem:$0x460] =	vst v1;
	v1 =	vmul.f32 v4, v18  }
0x95: {  	[tilespmem:$0x470] =	vst v2;
	v2 =	vmul.f32 v4, v19  }
0x96: {  	[tilespmem:$0x800] =	vst v1;
	v1 =	vmul.f32 v4, v20  }
0x97: {  	[tilespmem:$0x810] =	vst v2;
	v2 =	vmul.f32 v4, v21  }
0x98: {  	[tilespmem:$0x820] =	vst v1;
	v1 =	vmul.f32 v4, v22  }
0x99: {  	[tilespmem:$0x830] =	vst v2;
	v2 =	vmul.f32 v4, v23  }
0x9a: {  	[tilespmem:$0x840] =	vst v1;
	v1 =	vmul.f32 v4, v24  }
0x9b: {  	[tilespmem:$0x850] =	vst v2;
	v2 =	vmul.f32 v4, v25  }
0x9c: {  	[tilespmem:$0x860] =	vst v1;
	v1 =	vmul.f32 v4, v26  }
0x9d: {  	[tilespmem:$0x870] =	vst v2;
	v2 =	vmul.f32 v4, v27  }
0x9e: {  	[tilespmem:$0xC00] =	vst v1;
	v1 =	vmul.f32 v4, v28  }
0x9f: {  	[tilespmem:$0xC10] =	vst v2;
	v2 =	vmul.f32 v4, v29  }
0xa0: {  	[tilespmem:$0xC20] =	vst v1;
	v1 =	vmul.f32 v4, v30  }
0xa1: {  	[tilespmem:$0xC30] =	vst v2;
	v2 =	vmul.f32 v4, v31  }
0xa2: {  	[tilespmem:$0xC40] =	vst v1;
	v1 =	vmul.f32 v4, v32  }
0xa3: {  	[tilespmem:$0xC50] =	vst v2;
	v2 =	vmul.f32 v4, v33  }
0xa4: {  	[tilespmem:$0xC60] =	vst v1;
	v1 =	vmul.f32 v4, v34  }
0xa5: {  	[tilespmem:$0xC70] =	vst v2;
	v2 =	vmul.f32 v4, v35  }
0xa6: {  	[tilespmem:$0x1000] =	vst v1;
	v1 =	vmul.f32 v4, v36  }
0xa7: {  	[tilespmem:$0x1010] =	vst v2;
	v2 =	vmul.f32 v4, v37  }
0xa8: {  	[tilespmem:$0x1020] =	vst v1;
	v1 =	vmul.f32 v4, v38  }
0xa9: {  	[tilespmem:$0x1030] =	vst v2  }
0xaa: {  	[tilespmem:v0+s3+$0x0] =	vst.idx.msk $0x1, v1  }
.LBB2_5:
0xab: {  	s15 =	sand.u32 $0xE, s14  }
0xac: {  	s14 =	sand.u32 $0xD, s14;
	p0 =	seq.s32 s15, $0x2  }
0xad: {  	p1 =	seq.s32 @!p0 s14, $0x5  }
0xae: {  	p0 =	por p0, p1  }
0xaf: {  	p1 =	seq.s32 @!p0 s14, $0x8  }
0xb0: {  	p0 =	por p0, p1  }
.Ltmp6:
0xb1: {  	_ = 	snop;
	(pc) =	sbr.rel @p0 .LBB2_7-.Ltmp6, $1  }
0xb2: {  	_ =	sdelay $0x3  }
0xb3: {  	v1 =	vld [tilespmem:$0x0]  }
0xb4: {  	v2 =	vld [tilespmem:$0x10]  }
0xb5: {  	v3 =	vld [tilespmem:$0x20]  }
0xb6: {  	v4 =	vld [tilespmem:$0x30]  }
0xb7: {  	v5 =	vld [tilespmem:$0x40]  }
0xb8: {  	v6 =	vld [tilespmem:$0x50];
	v1 =	vmul.f32 $1.733102250e-03, v1  }
0xb9: {  	v7 =	vld [tilespmem:$0x60];
	v2 =	vmul.f32 $1.733102250e-03, v2  }
0xba: {  	[tilespmem:$0x0] =	vst v1;
	v1 =	vmul.f32 $1.733102250e-03, v3;
	v3 =	vld [tilespmem:$0x70]  }
0xbb: {  	v41 =	vld [tilespmem:$0x400];
	[tilespmem:$0x10] =	vst v2;
	v2 =	vmul.f32 $1.733102250e-03, v4  }
0xbc: {  	v42 =	vld [tilespmem:$0x410];
	[tilespmem:$0x20] =	vst v1;
	v1 =	vmul.f32 $1.733102250e-03, v5  }
0xbd: {  	v43 =	vld [tilespmem:$0x420];
	[tilespmem:$0x30] =	vst v2;
	v2 =	vmul.f32 $1.733102250e-03, v6  }
0xbe: {  	v44 =	vld [tilespmem:$0x430];
	[tilespmem:$0x40] =	vst v1;
	v1 =	vmul.f32 $1.733102250e-03, v7  }
0xbf: {  	[tilespmem:$0x50] =	vst v2;
	v2 =	vmul.f32 $1.733102250e-03, v3;
	v3 =	vld [tilespmem:$0x440]  }
0xc0: {  	v45 =	vld [tilespmem:$0x450];
	[tilespmem:$0x60] =	vst v1;
	v1 =	vmul.f32 $1.733102250e-03, v41  }
0xc1: {  	v46 =	vld [tilespmem:$0x460];
	[tilespmem:$0x70] =	vst v2;
	v2 =	vmul.f32 $1.733102250e-03, v42  }
0xc2: {  	v47 =	vld [tilespmem:$0x470];
	[tilespmem:$0x400] =	vst v1;
	v1 =	vmul.f32 $1.733102250e-03, v43  }
0xc3: {  	v48 =	vld [tilespmem:$0x800];
	[tilespmem:$0x410] =	vst v2;
	v2 =	vmul.f32 $1.733102250e-03, v44  }
0xc4: {  	[tilespmem:$0x420] =	vst v1;
	v1 =	vmul.f32 $1.733102250e-03, v3;
	v3 =	vld [tilespmem:$0x810]  }
0xc5: {  	v49 =	vld [tilespmem:$0x820];
	[tilespmem:$0x430] =	vst v2;
	v2 =	vmul.f32 $1.733102250e-03, v45  }
0xc6: {  	v50 =	vld [tilespmem:$0x830];
	[tilespmem:$0x440] =	vst v1;
	v1 =	vmul.f32 $1.733102250e-03, v46  }
0xc7: {  	v51 =	vld [tilespmem:$0x840];
	[tilespmem:$0x450] =	vst v2;
	v2 =	vmul.f32 $1.733102250e-03, v47  }
0xc8: {  	v52 =	vld [tilespmem:$0x850];
	[tilespmem:$0x460] =	vst v1;
	v1 =	vmul.f32 $1.733102250e-03, v48  }
0xc9: {  	[tilespmem:$0x470] =	vst v2;
	v2 =	vmul.f32 $1.733102250e-03, v3;
	v3 =	vld [tilespmem:$0x860]  }
0xca: {  	v53 =	vld [tilespmem:$0x870];
	[tilespmem:$0x800] =	vst v1;
	v1 =	vmul.f32 $1.733102250e-03, v49  }
0xcb: {  	v54 =	vld [tilespmem:$0xC00];
	[tilespmem:$0x810] =	vst v2;
	v2 =	vmul.f32 $1.733102250e-03, v50  }
0xcc: {  	v55 =	vld [tilespmem:$0xC10];
	[tilespmem:$0x820] =	vst v1;
	v1 =	vmul.f32 $1.733102250e-03, v51  }
0xcd: {  	v56 =	vld [tilespmem:$0xC20];
	[tilespmem:$0x830] =	vst v2;
	v2 =	vmul.f32 $1.733102250e-03, v52  }
0xce: {  	[tilespmem:$0x840] =	vst v1;
	v1 =	vmul.f32 $1.733102250e-03, v3;
	v3 =	vld [tilespmem:$0xC30]  }
0xcf: {  	v57 =	vld [tilespmem:$0xC40];
	[tilespmem:$0x850] =	vst v2;
	v2 =	vmul.f32 $1.733102250e-03, v53  }
0xd0: {  	v58 =	vld [tilespmem:$0xC50];
	[tilespmem:$0x860] =	vst v1;
	v1 =	vmul.f32 $1.733102250e-03, v54  }
0xd1: {  	v59 =	vld [tilespmem:$0xC60];
	[tilespmem:$0x870] =	vst v2;
	v2 =	vmul.f32 $1.733102250e-03, v55  }
0xd2: {  	v60 =	vld [tilespmem:$0xC70];
	[tilespmem:$0xC00] =	vst v1;
	v1 =	vmul.f32 $1.733102250e-03, v56  }
0xd3: {  	[tilespmem:$0xC10] =	vst v2;
	v2 =	vmul.f32 $1.733102250e-03, v3;
	v3 =	vld [tilespmem:$0x1000]  }
0xd4: {  	v61 =	vld [tilespmem:$0x1010];
	[tilespmem:$0xC20] =	vst v1;
	v1 =	vmul.f32 $1.733102250e-03, v57  }
0xd5: {  	v62 =	vld [tilespmem:$0x1020];
	[tilespmem:$0xC30] =	vst v2;
	v2 =	vmul.f32 $1.733102250e-03, v58  }
0xd6: {  	v63 =	vld [tilespmem:$0x1030];
	[tilespmem:$0xC40] =	vst v1;
	v1 =	vmul.f32 $1.733102250e-03, v59  }
0xd7: {  	[tilespmem:$0xC50] =	vst v2;
	v2 =	vmul.f32 $1.733102250e-03, v60  }
0xd8: {  	[tilespmem:$0xC60] =	vst v1;
	v1 =	vmul.f32 $1.733102250e-03, v3  }
0xd9: {  	[tilespmem:$0xC70] =	vst v2;
	v2 =	vmul.f32 $1.733102250e-03, v61  }
0xda: {  	[tilespmem:$0x1000] =	vst v1;
	v1 =	vmul.f32 $1.733102250e-03, v62  }
0xdb: {  	[tilespmem:$0x1010] =	vst v2;
	v2 =	vmul.f32 $1.733102250e-03, v63  }
0xdc: {  	[tilespmem:$0x1020] =	vst v1  }
0xdd: {  	[tilespmem:$0x1030] =	vst v2  }
0xde: {  	v1 =	vld.idx.msk [tilespmem:v0+s3+$0x0], $0xffff;
	_ =	sdelay $0x2  }
.Ltmp7:
0xdf: {  	_ = 	snop;
	(pc) =	sbr.rel .LBB2_7-.Ltmp7, $3  }
0xe0: {  	_ = 	snop  }
0xe1: {  	v1 =	vmul.f32 $1.733102250e-03, v1;
	_ =	sdelay $0x1  }
0xe2: {  	[tilespmem:v0+s3+$0x0] =	vst.idx.msk $0x1, v1  }
.LBB2_10:
0xe3: {  	_ =	sfence.sel $0x180000  }
0xe4: {  	[bflag:$0x0] =	sbarrier.arrive $0xFFFF  }
0xe5: {  	p0 =	sne.s32 s0, $0x0;
	_ =	strace $0x90000047  }
0xe6: {  	s0 =	sadd.s32 @!p0 $0x100000, s1;
	[bflag:$0x2] =	sbarrier.arrive $0xFFFF  }
0xe7: {  	[sflag:s0] =	ssyncadd.tile.s32 @!p0 $0x1;
	_ =	shalt  }
.Lfunc_end2:
_tile_overlayer_lowered:
.L_overlay_start_2:
0xe8: {  	(tag) =	ssettag $0x2  }
0xe9: {  	s0 =	rddreg [dreg:$0x0];
	s2 =	stileid.u32  }
0xea: {  	s1 =	rddreg [dreg:$0x1];
	p0 =	sne.s32 s2, $0x0  }
0xeb: {  	s3 =	rddreg [dreg:$0x2];
	[bflag:$0x3] =	sbarrier.arrive $0xFFFF;
	s2 =	simm.s32 @!p0 $0x1C01  }
0xec: {  	[timem:s3], [sflag:s2] =	dma.local @!p0 [hbm:s0], s1  }
0xed: {  	s0 =	simm.s32 @!p0 $0x1  }
0xee: {  	_ =	swait.ge @!p0 [sflag:s0], s1  }
0xef: {  	s1 =	ssub.s32 @!p0 $0x0, s1;
	[sflag:s0] =	ssyncset.done @!p0 $0x0  }
0xf0: {  	[sflag:s0] =	ssyncadd.s32 @!p0 s1  }
0xf1: {  	[bflag:$0x3] =	sbarrier.arrive $0xFFFF  }
0xf2: {  	_ =	shalt  }

// kernel: sparse-core-data-format-call.cloned.1.call-start
scs
called_computation_lowered:
.L_overlay_start_0:
0x0: {  	s2 =	sld [smem:$0x3FD9]  }
0x1: {  	s3 =	sld [smem:$0x3FFE];
	_ =	sdelay $0x1  }
0x2: {  	s1 =	srdreg.scid  }
0x3: {  	s0 =	sand.u32 $0x1, s1  }
0x4: {  	s18 =	sshll.u32 s0, $0xA;
	s2 =	sadd.s32 s3, s2  }
0x5: {  	s2 =	sadd.s32 s2, s18  }
0x6: {  	[smem:$0x3FC7] =	sst s2  }
0x7: {  	_ = 	snop  }
0x8: {  	s2 =	sld [smem:$0x3FD0];
	(tm) =	ssettm $0x1  }
0x9: {  	s19 =	sld [smem:$0x3FFB];
	_ =	sdelay $0x3  }
0xa: {  	_ =	strace s19  }
0xb: {  	s3 =	sld [smem:$0x3FFC];
	_ =	sdelay $0x3  }
0xc: {  	_ =	strace s3  }
0xd: {  	s3 =	sld [smem:$0x3FFD];
	_ =	sdelay $0x3  }
0xe: {  	_ =	strace s3  }
0xf: {  	_ =	strace $0x8FFFFFFF  }
0x10: {  	s20 =	sld [smem:$0x3FDB];
	_ =	sdelay $0x1  }
0x11: {  	s4 =	simm.s32 $_scs_section_size  }
0x12: {  	s5 =	simm.s32 $_size__tile_overlayer_lowered;
	s6 =	simm.s32 $_tile_overlayer_lowered  }
0x13: {  	s23 =	simm.s32 $0x1BFF;
	s22 =	sshll.u32 s6, $0x1;
	s3 =	sadd.s32 s4, s20  }
0x14: {  	s7 =	simm.s32 $0x0;
	s21 =	sshll.u32 s5, $0x1;
	s5 =	sadd.s32 s22, s3  }
0x15: {  	[timem:s7], [sflag:s23] =	dma.local [hbm:s5], s21  }
0x16: {  	_ =	swait.ge [sflag:s23], s21  }
0x17: {  	s4 =	ssub.s32 $0x0, s21;
	[sflag:s23] =	ssyncset.done $0x0  }
0x18: {  	[sflag:s23] =	ssyncadd.s32 s4;
	_ =	sdelay $0x1  }
0x19: {  	s24 =	simm.s32 $0x1B8B  }
0x1a: {  	_ =	swait.ge [sflag:s24], $0x1  }
0x1b: {  	[sflag:s24] =	ssyncset.done $0x0  }
0x1c: {  	s26 =	simm.s32 $0x1B8E;
	s25 =	sld [smem:$0x3FFE];
	[sflag:s24] =	ssyncadd.s32 $0xFFFFFFFF  }
0x1d: {  	s27 =	simm.s32 $execute0_lowered;
	[smem:$0x3FD2] =	sst s26  }
0x1e: {  	s5 =	sshll.u32 s27, $0x1;
	_ =	strace $0x80000049;
	[dreg:$0x1] =	wrdreg $0xFFFFFFFF  }
0x1f: {  	s28 =	simm.s32 $_size_execute0_lowered;
	s3 =	sadd.s32 s3, s5;
	[dreg:$0x0] =	wrdreg $0x0  }
0x20: {  	s5 =	sshll.u32 s28, $0x1;
	[dreg:$0x2] =	wrdreg s3  }
0x21: {  	[dreg:$0x3] =	wrdreg s5  }
0x22: {  	[dreg:$0x4] =	wrdreg $0xC0  }
0x23: {  	_ =	task [dreg:s7], $0x5FFFF  }
0x24: {  	[dreg:$0x1] =	wrdreg $0xFFFFFFFF  }
0x25: {  	[dreg:$0x0] =	wrdreg $0x60  }
0x26: {  	[dreg:$0x2] =	wrdreg s25  }
0x27: {  	[dreg:$0x3] =	wrdreg s2  }
0x28: {  	[dreg:$0x4] =	wrdreg $0x9  }
0x29: {  	_ =	task.clear_ibuf [dreg:s7], $0x5FFFF;
	_ =	strace $0x90000049  }
0x2a: {  	s29 =	simm.s32 $0x9;
	_ =	strace $0x8000004B  }
0x2b: {  	_ =	swait.ge [sflag:s29], $0x1  }
0x2c: {  	[sflag:s29] =	ssyncadd.s32 $0xFFFFFFFF  }
0x2d: {  	_ =	strace $0x9000004B  }
0x2e: {  	_ =	sfence  }
0x2f: {  	s30 =	sld [smem:$0x0];
	_ =	sdelay $0x2  }
0x30: {  	s31 =	sshll.u32 s1, $0xD;
	s1 =	sshrl.u32 s1, $0x2  }
0x31: {  	s3 =	sand.u32 $0x4000, s31;
	s1 =	sadd.s32 s1, s30  }
0x32: {  	s0 =	sor.u32 s3, s0;
	s1 =	sshll.u32 s1, $0x11  }
0x33: {  	s0 =	sor.u32 s1, s0  }
0x34: {  	s0 =	sadd.s32 $0x8F2B, s0  }
0x35: {  	[sflag:s0] =	ssyncadd.remote.s32 $0x1  }
0x36: {  	_ =	sfence.sel $0xFFFF  }
0x37: {  	[dreg:$0x0] =	wrdreg $0xFFFFFFFF;
	(pc) =	sbr.abs _section_cstart, $3  }
0x38: {  	[dreg:$0x1] =	wrdreg $0xFFFFFFFF  }
0x39: {  	_ =	task.clear_ibuf [dreg:s7], $0x2FFFF;
	_ =	strace $0x9FFFFFFF  }
0x3a: {  	(tm) =	ssettm $0x7FFFFFFF  }
0x3b: {  	_ =	shalt  }
tec
execute0_lowered:
.L_overlay_start_1:
0x0: {  	(tag) =	ssettag $0x1  }
0x1: {  	s0 =	rddreg [dreg:$0x0];
	s1 =	srdreg.scid  }
0x2: {  	_ =	strace $0x8000004A;
	s2 =	stileid.u32;
	s30 =	simm.s32 $0x1  }
0x3: {  	s31 =	simm.s32 $0x2;
	s23 =	simm.s32 $0x0;
	s21 =	simm.s32 $0x1400  }
0x4: {  	s19 =	simm.s32 $0x0;
	s20 =	simm.s32 $0x0;
	s18 =	simm.s32 $0x0  }
0x5: {  	s8 =	simm.s32 $0x0;
	s9 =	simm.s32 $0x0;
	s22 =	simm.s32 $0x0  }
0x6: {  	s13 =	simm.s32 $0x0;
	s12 =	simm.s32 $0x0;
	s14 =	simm.s32 $0x0  }
.Ltmp0:
0x7: {  	s0 =	sadd.s32 $0x43A600, s0;
	s29 =	sshll.u32 s1, $0x4;
	(pc) =	sbr.rel .LBB1_1-.Ltmp0, $4  }
0x8: {  	s10 =	simm.s32 $0x0;
	[dreg:$0x3] =	wrdreg s0;
	s0 =	sand.u32 $0x10, s29  }
0x9: {  	[sflag:s30] =	ssyncpa.u1 $0x0;
	s11 =	sand.u32 $0x7, s2;
	s0 =	sor.u32 s2, s0  }
0xa: {  	[sflag:s31] =	ssyncpa.u1 $0x0;
	[dreg:$0x4] =	wrdreg s11;
	s17 =	sshrl.u32 s0, $0x3  }
0xb: {  	s16 =	smov.u32 s11;
	s15 =	smov.u32 s17;
	[dreg:$0x5] =	wrdreg s17  }
.LBB1_18:
0xc: {  	s0 =	sshrl.u32 s13, $0x3  }
0xd: {  	s1 =	sshll.u32 s8, $0x3;
	s2 =	sshll.u32 s13, $0x7;
	s4 =	rddreg [dreg:$0x9]  }
0xe: {  	s22 =	sand.u32 $0x7F, s8;
	s23 =	rddreg [dreg:$0x8];
	s0 =	smul.u32 $0x1400, s0  }
0xf: {  	p0 =	sgt.s32 s9, $0x1C1;
	s25 =	rddreg [dreg:$0xa];
	s1 =	sand.u32 $0xFFFFFC00, s1  }
0x10: {  	s5 =	smul.u32 $0x280, s9;
	s21 =	sand.u32 $0x380, s2;
	s0 =	sadd.s32 s0, s1  }
0x11: {  	s27 =	rddreg [dreg:$0x1];
	s1 =	smov.u32 s9;
	s0 =	sor.u32 s21, s0  }
0x12: {  	s1 =	simm.s32 @!p0 $0x1C1;
	s2 =	sor.u32 s22, s0;
	s0 =	smulhi.u32 $0xCCCCCCCD, s0  }
0x13: {  	s30 =	sor.u32 $0x8000, s24;
	s1 =	sadd.s32 s4, s1;
	s3 =	smulhi.u32 $0xCCCCCCCD, s2  }
0x14: {  	s22 =	rddreg [dreg:$0x6];
	s4 =	sadd.s32 $0xFFFFFE3F, s1;
	s1 =	ssub.s32 $0x241, s1  }
0x15: {  	s26 =	smul.u32 $0x5A280, s22;
	p0 =	sgt.s32 s4, $0x7F;
	s3 =	sshrl.u32 s3, $0x9  }
0x16: {  	s0 =	sshrl.u32 s0, $0x9;
	s1 =	simm.s32 @p0 $0x0;
	s3 =	smul.u32 $0x280, s3  }
0x17: {  	s11 =	rddreg [dreg:$0x4];
	s0 =	sand.u32 $0x7, s0;
	s1 =	smul.u32 s1, s23  }
0x18: {  	s17 =	rddreg [dreg:$0x5];
	s21 =	simm.s32 $0x1400;
	s0 =	smul.u32 $0x50, s0  }
0x19: {  	s23 =	rddreg [dreg:$0x7];
	s2 =	ssub.s32 s2, s3;
	s3 =	sadd.s32 s27, s26  }
0x1a: {  	s1 =	smul.u32 s25, s1;
	s3 =	sadd.s32 s5, s3;
	s28 =	sand.u32 $0x7, s2  }
0x1b: {  	s2 =	sshrl.u32 s2, $0x3;
	s0 =	sadd.s32 s0, s3;
	s29 =	sshll.u32 s28, $0x12  }
0x1c: {  	s1 =	sand.u32 $0x3FFFFFFF, s1;
	s0 =	sadd.s32 s2, s0;
	s31 =	sor.u32 $0x80, s29  }
0x1d: {  	[hbm4b:s0+s31] =	stream.strided.scatter [tilespmem:s30], [sflag:$0x2], s1, s21, s31, $0x38;
	[tilespmem:$0x10000] =	vst v63  }
.LBB1_19:
0x1e: {  	p0 =	slt.u32 s10, $0x2  }
0x1f: {  	s0 =	smov.u32 s20;
	s5 =	smov.u32 s14;
	p1 =	sgt.s32 @!p0 s20, $0xB  }
0x20: {  	s10 =	sadd.s32 $0x1, s10;
	s1 =	sshra.s32 @!p0 s20, $0x1F;
	p1 =	por !p1, p0  }
0x21: {  	p2 =	sgt.s32 @!p0 s19, $0x1C1;
	s1 =	sand.u32 @!p0 s1, s20;
	s0 =	simm.s32 @p1 $0xB  }
0x22: {  	s2 =	sshra.s32 @!p0 s19, $0x1F;
	s3 =	sshra.s32 @!p0 s18, $0x1F;
	s0 =	ssub.s32 @!p0 s0, s1  }
0x23: {  	p2 =	por !p2, p0;
	s2 =	sand.u32 @!p0 s2, s19;
	s1 =	sadd.s32 @!p0 $0xFFFFFFF5, s0  }
0x24: {  	s3 =	sand.u32 @!p0 s3, s18;
	p1 =	sgt.s32 @!p0 s1, $0x0;
	s1 =	smov.u32 s19  }
0x25: {  	s20 =	smov.u32 s22;
	s0 =	ssub.s32 @!p0 $0xC, s0;
	s1 =	simm.s32 @p2 $0x1C1  }
0x26: {  	p1 =	por !p1, p0;
	p2 =	sgt.s32 @!p0 s18, $0x7;
	s1 =	ssub.s32 @!p0 s1, s2  }
0x27: {  	p2 =	por !p2, p0;
	s2 =	smov.u32 s18;
	s0 =	simm.s32 @!p1 $0x0  }
0x28: {  	p1 =	sgt.s32 @!p0 s23, $0x200;
	s2 =	simm.s32 @p2 $0x7;
	s4 =	sadd.s32 @!p0 $0xFFFFFE3F, s1  }
0x29: {  	p1 =	por !p1, p0;
	s1 =	ssub.s32 @!p0 $0x241, s1;
	s2 =	ssub.s32 @!p0 s2, s3  }
0x2a: {  	p2 =	sgt.s32 @!p0 s4, $0x7F;
	s4 =	smov.u32 s23;
	s3 =	sadd.s32 @!p0 $0xFFFFFFF9, s2  }
0x2b: {  	s4 =	simm.s32 @p1 $0x200;
	p1 =	sgt.s32 @!p0 s3, $0x0;
	s3 =	sshra.s32 @!p0 s23, $0x1F  }
0x2c: {  	s2 =	ssub.s32 @!p0 $0x8, s2;
	s3 =	sand.u32 @!p0 s3, s23;
	p1 =	por !p1, p0  }
0x2d: {  	p2 =	por !p2, p0;
	s3 =	ssub.s32 @!p0 s4, s3;
	s2 =	simm.s32 @!p1 $0x0  }
0x2e: {  	s1 =	simm.s32 @!p2 $0x0;
	s4 =	sadd.s32 @!p0 $0xFFFFFE00, s3;
	s0 =	smul.u32 @!p0 s2, s0  }
0x2f: {  	s2 =	sadd.s32 $0x80, s12;
	s3 =	ssub.s32 @!p0 $0x280, s3;
	p1 =	sgt.s32 @!p0 s4, $0x7F  }
0x30: {  	p2 =	sgt.s32 s2, $0x240;
	s4 =	sadd.s32 $0x80, s14;
	p1 =	por !p1, p0  }
0x31: {  	s0 =	smul.u32 @!p0 s1, s0;
	s5 =	smov.u32 @p2 s4;
	s1 =	sadd.s32 $0x4, s15  }
0x32: {  	s4 =	smov.u32 s15;
	s3 =	simm.s32 @!p1 $0x0;
	p1 =	sgt.s32 s5, $0x240  }
0x33: {  	s2 =	simm.s32 @p2 $0x0;
	s0 =	smul.u32 @!p0 s3, s0;
	s4 =	smov.u32 @p1 s1  }
0x34: {  	s1 =	sadd.s32 $0x8, s16;
	s3 =	smov.u32 s16;
	p2 =	sgt.s32 s4, $0xB  }
0x35: {  	s22 =	smov.u32 s15;
	s19 =	smov.u32 s9;
	s3 =	smov.u32 @p2 s1  }
0x36: {  	s9 =	smov.u32 s14;
	s5 =	simm.s32 @p1 $0x0;
	p1 =	sgt.s32 s3, $0x7  }
0x37: {  	s18 =	smov.u32 s13;
	s3 =	smov.u32 @p1 s11;
	p1 =	sne.s32 s10, $0x4D  }
.Ltmp1:
0x38: {  	s13 =	smov.u32 s16;
	s23 =	smov.u32 s8;
	(pc) =	sbr.rel @!p1 .LBB1_20-.Ltmp1, $4  }
0x39: {  	s8 =	smov.u32 s12;
	s0 =	sand.u32 @!p0 $0x3FFFFFFF, s0;
	s1 =	simm.s32 @!p0 $0x2  }
0x3a: {  	s12 =	smov.u32 s2;
	s14 =	smov.u32 s5;
	_ =	swait.ge @!p0 [sflag:s1], s0  }
0x3b: {  	s4 =	smov.u32 @p2 s17;
	s0 =	ssub.s32 @!p0 $0x0, s0;
	[sflag:s1] =	ssyncset.done @!p0 $0x0  }
0x3c: {  	s15 =	smov.u32 s4;
	[sflag:s1] =	ssyncadd.s32 @!p0 s0;
	s16 =	smov.u32 s3  }
.LBB1_1:
0x3d: {  	p0 =	sgt.u32 s10, $0x4A  }
.Ltmp2:
0x3e: {  	_ = 	snop;
	(pc) =	sbr.rel @p0 .LBB1_3-.Ltmp2, $1  }
0x3f: {  	_ =	sdelay $0x3  }
0x40: {  	s0 =	sshrl.u32 s14, $0x3  }
0x41: {  	s1 =	sshll.u32 s12, $0x3;
	s0 =	smul.u32 $0x1400, s0  }
0x42: {  	s2 =	sshll.u32 s14, $0x7;
	s1 =	sand.u32 $0xFFFFFC00, s1  }
0x43: {  	s24 =	sand.u32 $0x380, s2;
	s0 =	sadd.s32 s0, s1  }
0x44: {  	s25 =	sand.u32 $0x7F, s12;
	s3 =	sxor.u32 $0xFFFFFFFF, s10;
	s0 =	sor.u32 s24, s0  }
0x45: {  	p0 =	sgt.s32 s16, $0x7;
	s4 =	smov.u32 s16;
	s1 =	sor.u32 s25, s0  }
0x46: {  	s5 =	sshra.s32 s16, $0x1F;
	s6 =	sshra.s32 s15, $0x1F;
	s2 =	smulhi.u32 $0xCCCCCCCD, s1  }
0x47: {  	s7 =	sshra.s32 s14, $0x1F;
	s31 =	sshra.s32 s12, $0x1F;
	s4 =	simm.s32 @!p0 $0x7  }
0x48: {  	s26 =	sand.u32 s5, s16;
	p0 =	sgt.s32 s15, $0xB;
	s2 =	sshrl.u32 s2, $0x9  }
0x49: {  	s28 =	sand.u32 s6, s15;
	s5 =	smov.u32 s14;
	s2 =	smul.u32 $0x280, s2  }
0x4a: {  	s7 =	sand.u32 s7, s14;
	s3 =	sshll.u32 s3, $0xE;
	s0 =	smulhi.u32 $0xCCCCCCCD, s0  }
0x4b: {  	s25 =	smul.u32 $0x88E00, s16;
	s1 =	ssub.s32 s1, s2;
	s2 =	ssub.s32 s4, s26  }
0x4c: {  	s0 =	sshrl.u32 s0, $0x9;
	s4 =	smov.u32 s15;
	s27 =	sadd.s32 $0xFFFFFFF9, s2  }
0x4d: {  	s4 =	simm.s32 @!p0 $0xB;
	s2 =	ssub.s32 $0x8, s2;
	p0 =	sgt.s32 s27, $0x0  }
0x4e: {  	s4 =	ssub.s32 s4, s28;
	s2 =	simm.s32 @p0 $0x0;
	p0 =	sgt.s32 s14, $0x1C8  }
0x4f: {  	s30 =	smulhi.u32 $0xE07039, s0;
	s29 =	sadd.s32 $0xFFFFFFF5, s4;
	s5 =	simm.s32 @!p0 $0x1C8  }
0x50: {  	s4 =	ssub.s32 $0xC, s4;
	p0 =	sgt.s32 s29, $0x0;
	s5 =	ssub.s32 s5, s7  }
0x51: {  	s6 =	sshrl.u32 s30, $0x1;
	s4 =	simm.s32 @p0 $0x0;
	s7 =	sadd.s32 $0xFFFFFE38, s5  }
0x52: {  	s2 =	smul.u32 s2, s4;
	s4 =	ssub.s32 $0x248, s5;
	p0 =	sgt.s32 s7, $0x7F  }
0x53: {  	s5 =	smov.u32 s12;
	s4 =	simm.s32 @p0 $0x0;
	p0 =	sgt.s32 s12, $0x200  }
0x54: {  	s6 =	smul.u32 $0x248, s6;
	s7 =	sand.u32 s31, s12;
	s5 =	simm.s32 @!p0 $0x200  }
0x55: {  	s3 =	sand.u32 $0x4000, s3;
	s26 =	smul.u32 $0xB680, s15;
	s24 =	ssub.s32 s5, s7  }
0x56: {  	s0 =	ssub.s32 s0, s6;
	s27 =	rddreg [dreg:$0x3];
	s5 =	sadd.s32 $0xFFFFFE00, s24  }
0x57: {  	s2 =	smul.u32 s4, s2;
	s4 =	ssub.s32 $0x280, s24;
	p0 =	sgt.s32 s5, $0x7F  }
0x58: {  	s0 =	smul.u32 $0x50, s0;
	s6 =	sadd.s32 s27, s25;
	s4 =	simm.s32 @p0 $0x0  }
0x59: {  	s28 =	sadd.s32 s26, s6;
	s29 =	sand.u32 $0x7, s1;
	s2 =	smul.u32 s4, s2  }
0x5a: {  	s1 =	sshrl.u32 s1, $0x3;
	s0 =	sadd.s32 s0, s28;
	s30 =	sshll.u32 s29, $0x12  }
0x5b: {  	s0 =	sadd.s32 s1, s0;
	s31 =	sor.u32 $0x400, s30;
	s2 =	sand.u32 $0x3FFFFFFF, s2  }
0x5c: {  	[tilespmem:s3], [sflag:$0x1] =	stream.strided.gather [hbm4b:s0+s31], s2, s21, s31, $0x38;
	[tilespmem:$0x10000] =	vst v63  }
.LBB1_3:
0x5d: {  	p0 =	seq.s32 s10, $0x0  }
0x5e: {  	p1 =	seq.s32 @!p0 s10, $0x4C  }
0x5f: {  	p0 =	por p0, p1  }
.Ltmp3:
0x60: {  	_ = 	snop;
	(pc) =	sbr.rel @p0 .LBB1_19-.Ltmp3, $1  }
0x61: {  	_ =	sdelay $0x3  }
0x62: {  	[dreg:$0x7] =	wrdreg s23;
	p0 =	sgt.s32 s13, $0x7  }
0x63: {  	s0 =	smov.u32 s13;
	s1 =	sshra.s32 s13, $0x1F;
	s2 =	smov.u32 s22  }
0x64: {  	s3 =	sshra.s32 s22, $0x1F;
	s17 =	ssub.s32 $0x0, s9;
	s21 =	sshra.s32 s9, $0x1F  }
0x65: {  	p2 =	sgt.s32 s9, $0x1C8;
	s4 =	smov.u32 s9;
	s25 =	sshra.s32 s8, $0x1F  }
0x66: {  	s0 =	simm.s32 @!p0 $0x7;
	p0 =	sgt.s32 s22, $0xB;
	s1 =	sand.u32 s1, s13  }
0x67: {  	s3 =	sand.u32 s3, s22;
	s2 =	simm.s32 @!p0 $0xB;
	s0 =	ssub.s32 s0, s1  }
0x68: {  	s4 =	simm.s32 @!p2 $0x1C8;
	s7 =	ssub.s32 s2, s3;
	s11 =	sadd.s32 $0xFFFFFFF9, s0  }
0x69: {  	s0 =	ssub.s32 $0x8, s0;
	s2 =	sand.u32 s17, s21;
	s3 =	sadd.s32 $0xFFFFFFF5, s7  }
0x6a: {  	p0 =	sgt.s32 s11, $0x0;
	s1 =	ssub.s32 $0xC, s7;
	[dreg:$0x9] =	wrdreg s2  }
0x6b: {  	s2 =	sadd.s32 s2, s4;
	p1 =	sgt.s32 s3, $0x0;
	s0 =	simm.s32 @p0 $0x0  }
0x6c: {  	s24 =	sadd.s32 $0xFFFFFE38, s2;
	s2 =	ssub.s32 $0x248, s2;
	s1 =	simm.s32 @p1 $0x0  }
0x6d: {  	p1 =	sgt.s32 s8, $0x200;
	s23 =	smul.u32 s0, s1;
	s0 =	smov.u32 s8  }
0x6e: {  	p0 =	sgt.s32 s24, $0x7F;
	s1 =	sand.u32 s25, s8;
	s0 =	simm.s32 @!p1 $0x200  }
0x6f: {  	s2 =	simm.s32 @p0 $0x0;
	s0 =	ssub.s32 s0, s1  }
0x70: {  	s26 =	smul.u32 s2, s23;
	s28 =	sadd.s32 $0xFFFFFE00, s0  }
0x71: {  	s3 =	ssub.s32 $0x280, s0;
	s0 =	sadd.s32 $0x1, s13;
	p0 =	sgt.s32 s28, $0x7F  }
0x72: {  	s2 =	sadd.s32 $0x1, s22;
	s3 =	simm.s32 @p0 $0x0;
	p0 =	slt.s32 s0, $0x8  }
0x73: {  	s1 =	smul.u32 s3, s26;
	s0 =	simm.s32 @!p0 $0x8;
	p0 =	slt.s32 s2, $0xC  }
0x74: {  	s25 =	ssub.s32 s0, s13;
	s2 =	simm.s32 @!p0 $0xC;
	s0 =	sadd.s32 $0x80, s9  }
0x75: {  	s26 =	ssub.s32 s2, s22;
	p1 =	slt.s32 s0, $0x241;
	p0 =	slt.s32 s25, $0x1  }
0x76: {  	s0 =	simm.s32 @!p1 $0x241;
	p1 =	slt.s32 @!p0 s26, $0x1  }
0x77: {  	s27 =	ssub.s32 s0, s9;
	p1 =	por p0, p1  }
0x78: {  	p2 =	slt.s32 @!p1 s27, $0x1  }
0x79: {  	[dreg:$0x6] =	wrdreg s22;
	p1 =	por p1, p2  }
.Ltmp4:
0x7a: {  	[dreg:$0x8] =	wrdreg s23;
	(pc) =	sbr.rel @p1 .LBB1_18-.Ltmp4, $4  }
0x7b: {  	s30 =	simm.s32 $0x1;
	[dreg:$0xa] =	wrdreg s3;
	s1 =	sand.u32 $0x3FFFFFFF, s1  }
0x7c: {  	_ =	swait.ge [sflag:s30], s1  }
0x7d: {  	s31 =	sshll.u32 s10, $0xE;
	s29 =	ssub.s32 $0x0, s1;
	[sflag:s30] =	ssyncset.done $0x0  }
0x7e: {  	s24 =	sand.u32 $0x4000, s31;
	[sflag:s30] =	ssyncadd.s32 s29  }
0x7f: {  	s0 =	sadd.s32 $0x80, s8  }
0x80: {  	p1 =	slt.s32 s0, $0x241  }
0x81: {  	s0 =	simm.s32 @!p1 $0x241  }
.Ltmp5:
0x82: {  	s0 =	ssub.s32 s0, s8;
	(pc) =	sbr.rel .LBB1_6-.Ltmp5, $4  }
0x83: {  	s1 =	sadd.s32 $0xF, s0  }
0x84: {  	s30 =	sor.u32 @!p0 $0x8000, s24;
	s28 =	sand.u32 $0xFFFFFFF0, s1  }
0x85: {  	s0 =	sshll.u32 s1, $0x3;
	s29 =	sand.u32 @!p0 $0xFFFFFF00, s1;
	p0 =	slt.s32 s1, $0x100  }
0x86: {  	s31 =	sand.u32 $0xFFFFF800, s0;
	s0 =	simm.s32 $0x0;
	p1 =	sge.s32 s29, s28  }
.LBB1_17:
0x87: {  	s0 =	sadd.s32 $0x1, s0  }
0x88: {  	p2 =	sne.s32 s0, s25  }
.Ltmp6:
0x89: {  	_ = 	snop;
	(pc) =	sbr.rel @!p2 .LBB1_18-.Ltmp6, $1  }
0x8a: {  	_ =	sdelay $0x3  }
.LBB1_6:
.Ltmp7:
0x8b: {  	(pc) =	sbr.rel .LBB1_7-.Ltmp7, $4  }
0x8c: {  	_ = 	snop  }
0x8d: {  	s1 =	sshll.u32 s0, $0x7  }
0x8e: {  	s1 =	sand.u32 $0x380, s1  }
0x8f: {  	s2 =	simm.s32 $0x0;
	s1 =	sadd.s32 s1, s30  }
.LBB1_16:
0x90: {  	s2 =	sadd.s32 $0x1, s2  }
0x91: {  	p2 =	sne.s32 s2, s26  }
.Ltmp8:
0x92: {  	_ = 	snop;
	(pc) =	sbr.rel @!p2 .LBB1_17-.Ltmp8, $1  }
0x93: {  	_ =	sdelay $0x3  }
.LBB1_7:
.Ltmp9:
0x94: {  	(pc) =	sbr.rel .LBB1_8-.Ltmp9, $4  }
0x95: {  	s3 =	sadd.s32 s0, s2  }
0x96: {  	s4 =	sshll.u32 s2, $0x10;
	s3 =	sshll.u32 s3, $0x10  }
0x97: {  	s5 =	simm.s32 $0x400;
	s23 =	sshra.s32 s4, $0x2;
	s3 =	sshra.s32 s3, $0x2  }
0x98: {  	s4 =	simm.s32 $0x0;
	s7 =	sadd.s32 s3, s24;
	s3 =	sadd.s32 s23, s1  }
.LBB1_15:
0x99: {  	s4 =	sadd.s32 $0x1, s4  }
0x9a: {  	p2 =	sne.s32 s4, s27  }
.Ltmp10:
0x9b: {  	_ = 	snop;
	(pc) =	sbr.rel @!p2 .LBB1_16-.Ltmp10, $2  }
0x9c: {  	_ =	sdelay $0x2  }
0x9d: {  	s5 =	sadd.s32 $0x80, s5  }
.LBB1_8:
.Ltmp11:
0x9e: {  	(pc) =	sbr.rel @p0 .LBB1_12-.Ltmp11, $2  }
0x9f: {  	_ =	sdelay $0x2  }
0xa0: {  	s6 =	sshll.u32 s4, $0x7  }
0xa1: {  	s17 =	sand.u32 $0x380, s6  }
0xa2: {  	s17 =	sadd.s32 s17, s7  }
0xa3: {  	v0 =	vmov s17;
	_ =	sdelay $0x3  }
0xa4: {  	s22 =	sand.u32 $0x3C00, s5  }
0xa5: {  	v7 =	vld.idx.msk [tilespmem:v0+s22+$0x70 ss:$0x1], $0xffff  }
0xa6: {  	p2 =	sgt.s32 s29, $0x100;
	v6 =	vld.idx.msk [tilespmem:v0+s22+$0x0 ss:$0x1], $0xffff  }
.Ltmp12:
0xa7: {  	v1 =	vld.idx.msk [tilespmem:v0+s22+$0x10 ss:$0x1], $0xffff;
	(pc) =	sbr.rel @!p2 .LBB1_11-.Ltmp12, $4  }
0xa8: {  	v2 =	vld.idx.msk [tilespmem:v0+s22+$0x20 ss:$0x1], $0xffff  }
0xa9: {  	v3 =	vld.idx.msk [tilespmem:v0+s22+$0x30 ss:$0x1], $0xffff  }
0xaa: {  	s21 =	sadd.s32 s6, s3;
	v4 =	vld.idx.msk [tilespmem:v0+s22+$0x40 ss:$0x1], $0xffff  }
0xab: {  	s23 =	simm.s32 $0x100;
	s17 =	sadd.s32 $0x800, s5;
	v5 =	vld.idx.msk [tilespmem:v0+s22+$0x50 ss:$0x1], $0xffff;
	[tilespmem:s21+$0x70] =	vst v7  }
.LBB1_10:
0xac: {  	s23 =	sadd.s32 $0x100, s23;
	[tilespmem:s21+$0x0] =	vst v6;
	v7 =	vld.idx.msk [tilespmem:v0+s22+$0x60 ss:$0x1], $0xffff;
	s22 =	sand.u32 $0x3C00, s17  }
0xad: {  	v8 =	vld.idx.msk [tilespmem:v0+s22+$0x70 ss:$0x1], $0xffff;
	p2 =	slt.s32 s23, s29;
	[tilespmem:s21+$0x10] =	vst v1  }
0xae: {  	v6 =	vld.idx.msk [tilespmem:v0+s22+$0x0 ss:$0x1], $0xffff;
	[tilespmem:s21+$0x20] =	vst v2  }
.Ltmp13:
0xaf: {  	v1 =	vld.idx.msk [tilespmem:v0+s22+$0x10 ss:$0x1], $0xffff;
	[tilespmem:s21+$0x30] =	vst v3;
	(pc) =	sbr.rel @p2 .LBB1_10-.Ltmp13, $4  }
0xb0: {  	v2 =	vld.idx.msk [tilespmem:v0+s22+$0x20 ss:$0x1], $0xffff;
	[tilespmem:s21+$0x40] =	vst v4  }
0xb1: {  	v3 =	vld.idx.msk [tilespmem:v0+s22+$0x30 ss:$0x1], $0xffff;
	[tilespmem:s21+$0x50] =	vst v5  }
0xb2: {  	v4 =	vld.idx.msk [tilespmem:v0+s22+$0x40 ss:$0x1], $0xffff;
	[tilespmem:s21+$0x60] =	vst v7  }
0xb3: {  	s17 =	sadd.s32 $0x800, s17;
	v5 =	vld.idx.msk [tilespmem:v0+s22+$0x50 ss:$0x1], $0xffff;
	[tilespmem:s21+$0x70] =	vst v8  }
.LBB1_11:
0xb4: {  	_ =	sdelay $0x2  }
0xb5: {  	[tilespmem:s21+$0x0] =	vst v6  }
0xb6: {  	v0 =	vld.idx.msk [tilespmem:v0+s22+$0x60 ss:$0x1], $0xffff;
	[tilespmem:s21+$0x10] =	vst v1  }
0xb7: {  	[tilespmem:s21+$0x20] =	vst v2  }
0xb8: {  	[tilespmem:s21+$0x30] =	vst v3  }
0xb9: {  	[tilespmem:s21+$0x40] =	vst v4  }
0xba: {  	[tilespmem:s21+$0x50] =	vst v5  }
0xbb: {  	[tilespmem:s21+$0x60] =	vst v0  }
.LBB1_12:
.Ltmp14:
0xbc: {  	(pc) =	sbr.rel @p1 .LBB1_15-.Ltmp14, $1  }
0xbd: {  	_ =	sdelay $0x3  }
0xbe: {  	s17 =	sshll.u32 s4, $0x9  }
0xbf: {  	s17 =	sshra.s32 s17, $0x2  }
0xc0: {  	s21 =	sand.u32 $0x380, s6;
	s22 =	sadd.s32 s17, s3  }
0xc1: {  	s17 =	sadd.s32 s21, s7;
	s21 =	smov.u32 s31;
	v0 =	vmov s22;
	s22 =	smov.u32 s29  }
.LBB1_14:
0xc2: {  	s23 =	sand.u32 $0x3C00, s21  }
0xc3: {  	s23 =	sadd.s32 s6, s23  }
0xc4: {  	s23 =	sand.u32 $0x3C00, s23  }
0xc5: {  	s11 =	sand.u32 $0x70, s22;
	s23 =	sadd.s32 s23, s17  }
0xc6: {  	s22 =	sadd.s32 $0x10, s22;
	s23 =	sadd.s32 s11, s23  }
0xc7: {  	p2 =	slt.s32 s22, s28;
	v1 =	vld [tilespmem:s23+$0x0]  }
.Ltmp15:
0xc8: {  	_ = 	snop;
	(pc) =	sbr.rel @p2 .LBB1_14-.Ltmp15, $2  }
0xc9: {  	_ =	sdelay $0x2  }
0xca: {  	s21 =	sadd.s32 $0x80, s21;
	[tilespmem:v0+s11+$0x0 ss:$0x1] =	vst.idx.msk $0xffff, v1  }
.Ltmp16:
0xcb: {  	_ = 	snop;
	(pc) =	sbr.rel .LBB1_15-.Ltmp16, $1  }
0xcc: {  	_ =	sdelay $0x3  }
.LBB1_20:
0xcd: {  	_ =	sfence.sel $0x180000  }
0xce: {  	s0 =	simm.s32 $0x1;
	[bflag:$0x0] =	sbarrier.arrive $0xFFFF  }
0xcf: {  	s30 =	simm.s32 $0x2;
	[sflag:s0] =	ssyncpa.u1 $0x1  }
0xd0: {  	[sflag:s30] =	ssyncpa.u1 $0x1  }
0xd1: {  	_ =	strace $0x9000004A  }
0xd2: {  	s31 =	stileid.u32;
	[bflag:$0x2] =	sbarrier.arrive $0xFFFF  }
0xd3: {  	p0 =	sne.s32 s31, $0x0;
	s0 =	rddreg [dreg:$0x2]  }
0xd4: {  	s0 =	sadd.s32 @!p0 $0x100000, s0  }
0xd5: {  	[sflag:s0] =	ssyncadd.tile.s32 @!p0 $0x1;
	_ =	shalt  }
.Lfunc_end1:
_tile_overlayer_lowered:
.L_overlay_start_2:
0xd6: {  	(tag) =	ssettag $0x2  }
0xd7: {  	s0 =	rddreg [dreg:$0x0];
	s2 =	stileid.u32  }
0xd8: {  	s1 =	rddreg [dreg:$0x1];
	p0 =	sne.s32 s2, $0x0  }
0xd9: {  	s3 =	rddreg [dreg:$0x2];
	[bflag:$0x3] =	sbarrier.arrive $0xFFFF;
	s2 =	simm.s32 @!p0 $0x1C01  }
0xda: {  	[timem:s3], [sflag:s2] =	dma.local @!p0 [hbm:s0], s1  }
0xdb: {  	s0 =	simm.s32 @!p0 $0x1  }
0xdc: {  	_ =	swait.ge @!p0 [sflag:s0], s1  }
0xdd: {  	s1 =	ssub.s32 @!p0 $0x0, s1;
	[sflag:s0] =	ssyncset.done @!p0 $0x0  }
0xde: {  	[sflag:s0] =	ssyncadd.s32 @!p0 s1  }
0xdf: {  	[bflag:$0x3] =	sbarrier.arrive $0xFFFF  }
0xe0: {  	_ =	shalt  }

</sc_bundles>
